<compile_context>
chip_gen: v7x
topology: tpu7x:2x2x1
jax: 0.10.2.dev20260603
libtpu: 0.0.44.dev20260713+nightly
codegen_flags: <defaults>
</compile_context>

<pallas_src>
import functools

import jax
import jax.numpy as jnp
from jax import lax
from jax.experimental import pallas as pl
from jax.experimental.pallas import tpu as pltpu
from jax.experimental.pallas import tpu_sc as plsc

VOCAB = 32000
DIM = 4096
B = 8192
NC, NS = 2, 16
NW = NC * NS
BPW = B // NW
K = 8
NCH = BPW // K
NBUF = 3

_mesh = plsc.VectorSubcoreMesh(core_axis_name="c", subcore_axis_name="s")


@functools.partial(
    pl.kernel,
    mesh=_mesh,
    out_type=jax.ShapeDtypeStruct((4, 2048, DIM), jnp.float32),
    scratch_types=[
        pltpu.VMEM((BPW,), jnp.int32),
        pltpu.VMEM((K, DIM), jnp.float32),
        pltpu.VMEM((K, DIM), jnp.float32),
        pltpu.VMEM((K, DIM), jnp.float32),
        pltpu.SemaphoreType.DMA,
        pltpu.SemaphoreType.DMA,
        pltpu.SemaphoreType.DMA,
        pltpu.SemaphoreType.DMA,
        pltpu.SemaphoreType.DMA,
        pltpu.SemaphoreType.DMA,
    ],
)
def _emb(table_hbm, x_hbm, out_hbm, idx_v, buf0, buf1, buf2,
         gsem0, gsem1, gsem2, wsem0, wsem1, wsem2):
    bufs = (buf0, buf1, buf2)
    gsems = (gsem0, gsem1, gsem2)
    wsems = (wsem0, wsem1, wsem2)

    wid = lax.axis_index("s") * NC + lax.axis_index("c")
    q = wid // 8
    rofs = (wid % 8) * BPW
    pltpu.sync_copy(x_hbm.at[q, pl.ds(rofs, BPW)], idx_v)

    def g_copy(g, j):
        return pltpu.make_async_copy(
            table_hbm.at[idx_v.at[pl.ds(g * K, K)]], bufs[j], gsems[j])

    def w_copy(g, j):
        return pltpu.make_async_copy(
            bufs[j], out_hbm.at[q, pl.ds(rofs + g * K, K)], wsems[j])

    g_copy(0, 0).start()
    g_copy(1, 1).start()
    g_copy(2, 2).start()

    def body(i, carry):
        for j in range(NBUF):
            c = NBUF * i + j
            g_copy(c, j).wait()
            w_copy(c, j).start()
            w_copy(c, j).wait()
            g_copy(jnp.minimum(c + NBUF, NCH - 1), j).start()
        return carry

    lax.fori_loop(0, (NCH - 2) // NBUF, body, 0)

    g_copy(NCH - 2, 0).wait()
    w_copy(NCH - 2, 0).start()
    g_copy(NCH - 1, 1).wait()
    w_copy(NCH - 1, 1).start()
    g_copy(NCH - 1, 2).wait()
    w_copy(NCH - 2, 0).wait()
    w_copy(NCH - 1, 1).wait()


def kernel(x, table):
    return _emb(table, x)

# --- scband reference (transcript-rebuilt; emitter-appended) ---
"""Pipeline reference for scband-emb-10677288698030 (READ-ONLY COPY).

The authoritative reference and input builder live on the scoring server;
editing this copy changes nothing except your own understanding.
"""

import jax, jax.numpy as jnp
import numpy as np

VOCAB = 32000
DIM = 4096

def setup_inputs(seed: int = 0) -> dict:
    key = jax.random.key(seed)
    k1, k2 = jax.random.split(key)
    x = jax.random.randint(k1, (4, 2048), 0, VOCAB, dtype=jnp.int64 if jax.config.jax_enable_x64 else jnp.int32)
    table = jax.random.normal(k2, (VOCAB, DIM), dtype=jnp.float32)
    return {"x": x, "table": table}

def reference(x, table):
    # torch.nn.Embedding forward: row gather from table
    return jnp.take(table, x, axis=0)

if __name__ == "__main__":
    import jax
    _d = setup_inputs()
    print(jax.jit(kernel)(*tuple(_d.values())))

</pallas_src>

<mosaic_0001>
#map = affine_map<(d0, d1) -> (0, 0)>
#map1 = affine_map<(d0, d1) -> (0, 0, 0)>
module attributes {stable_mosaic.version = 14 : i64} {
  func.func @_emb(%arg0: i32, %arg1: i32, %arg2: memref<32000x4096xf32, #tpu.memory_space<hbm>>, %arg3: memref<4x2048xi32, #tpu.memory_space<hbm>>, %arg4: memref<4x2048x4096xf32, #tpu.memory_space<hbm>>, %arg5: memref<256xi32, #tpu.memory_space<vmem>>, %arg6: memref<8x4096xf32, #tpu.memory_space<vmem>>, %arg7: memref<8x4096xf32, #tpu.memory_space<vmem>>, %arg8: memref<8x4096xf32, #tpu.memory_space<vmem>>, %arg9: memref<!tpu.dma_semaphore, #tpu.memory_space<semaphore_mem>>, %arg10: memref<!tpu.dma_semaphore, #tpu.memory_space<semaphore_mem>>, %arg11: memref<!tpu.dma_semaphore, #tpu.memory_space<semaphore_mem>>, %arg12: memref<!tpu.dma_semaphore, #tpu.memory_space<semaphore_mem>>, %arg13: memref<!tpu.dma_semaphore, #tpu.memory_space<semaphore_mem>>, %arg14: memref<!tpu.dma_semaphore, #tpu.memory_space<semaphore_mem>>) attributes {dimension_semantics = [#tpu.dimension_semantics<core_parallel>, #tpu.dimension_semantics<subcore_parallel>], iteration_bounds = array<i64: 2, 16>, scalar_prefetch = 0 : i64, scratch_operands = 10 : i64, tpu.core_type = #tpu.core_type<sc_vector_subcore>, window_params = [{transform_indices = #map}, {transform_indices = #map}, {transform_indices = #map1}]} {
    %mul3A = arith.constant 2 : i32
    %mul3A_0 = arith.muli %arg1, %mul3A : i32
    %add3A = arith.addi %mul3A_0, %arg0 : i32
    %jit3A = arith.constant 8 : i32
    %div3A = arith.divsi %add3A, %jit3A : i32
    %sign3A = arith.constant 0 : i32
    %sign3A_1 = arith.cmpi sgt, %add3A, %sign3A : i32
    %sign3A_2 = arith.extui %sign3A_1 : i1 to i32
    %sign3A_3 = arith.constant 0 : i32
    %sign3A_4 = arith.cmpi slt, %add3A, %sign3A_3 : i32
    %sign3A_5 = arith.extui %sign3A_4 : i1 to i32
    %sign3A_6 = arith.subi %sign3A_2, %sign3A_5 : i32
    %sign3A_7 = arith.constant 0 : i32
    %sign3A_8 = arith.cmpi sgt, %jit3A, %sign3A_7 : i32
    %sign3A_9 = arith.extui %sign3A_8 : i1 to i32
    %sign3A_10 = arith.constant 0 : i32
    %sign3A_11 = arith.cmpi slt, %jit3A, %sign3A_10 : i32
    %sign3A_12 = arith.extui %sign3A_11 : i1 to i32
    %sign3A_13 = arith.subi %sign3A_9, %sign3A_12 : i32
    %ne3A = arith.cmpi ne, %sign3A_6, %sign3A_13 : i32
    %rem3A = arith.remsi %add3A, %jit3A : i32
    %ne3A_14 = arith.constant 0 : i32
    %ne3A_15 = arith.cmpi ne, %rem3A, %ne3A_14 : i32
    %and3A = arith.andi %ne3A, %ne3A_15 : i1
    %sub3A = arith.constant 1 : i32
    %sub3A_16 = arith.subi %div3A, %sub3A : i32
    %select_n3A = arith.select %and3A, %sub3A_16, %div3A : i32
    %jit3A_17 = arith.constant 8 : i32
    %eq3A = arith.constant 0 : i32
    %eq3A_18 = arith.cmpi eq, %jit3A_17, %eq3A : i32
    %jit3A_19 = arith.constant 1 : i32
    %select_n3A_20 = arith.select %eq3A_18, %jit3A_19, %jit3A_17 : i32
    %rem3A_21 = arith.remsi %add3A, %select_n3A_20 : i32
    %ne3A_22 = arith.constant 0 : i32
    %ne3A_23 = arith.cmpi ne, %rem3A_21, %ne3A_22 : i32
    %lt3A = arith.constant 0 : i32
    %lt3A_24 = arith.cmpi slt, %rem3A_21, %lt3A : i32
    %lt3A_25 = arith.constant 0 : i32
    %lt3A_26 = arith.cmpi slt, %select_n3A_20, %lt3A_25 : i32
    %ne3A_27 = arith.xori %lt3A_24, %lt3A_26 : i1
    %and3A_28 = arith.andi %ne3A_27, %ne3A_23 : i1
    %add3A_29 = arith.addi %rem3A_21, %select_n3A_20 : i32
    %select_n3A_30 = arith.select %and3A_28, %add3A_29, %rem3A_21 : i32
    %mul3A_31 = arith.constant 256 : i32
    %mul3A_32 = arith.muli %select_n3A_30, %mul3A_31 : i32
    "tpu.region"() ({
      %run_scoped3A = tpu.sem_alloc : memref<!tpu.dma_semaphore, #tpu.memory_space<semaphore_mem>>
      %dma_start3A_98 = tpu.memref_slice %arg3[%select_n3A, %mul3A_32] : memref<4x2048xi32, #tpu.memory_space<hbm>> -> memref<1x256xi32, #tpu.memory_space<hbm>>
      %dma_start3A_99 = tpu.memref_squeeze %dma_start3A_98 : memref<1x256xi32, #tpu.memory_space<hbm>> -> memref<256xi32, #tpu.memory_space<hbm>>
      %dma_start3A_100 = tpu.memref_slice %arg3[%select_n3A, %mul3A_32] : memref<4x2048xi32, #tpu.memory_space<hbm>> -> memref<1x256xi32, #tpu.memory_space<hbm>>
      %dma_start3A_101 = tpu.memref_squeeze %dma_start3A_100 : memref<1x256xi32, #tpu.memory_space<hbm>> -> memref<256xi32, #tpu.memory_space<hbm>>
      tpu.enqueue_dma source(%dma_start3A_101 : memref<256xi32, #tpu.memory_space<hbm>>) target(%arg5 : memref<256xi32, #tpu.memory_space<vmem>>) target_semaphore(%run_scoped3A : memref<!tpu.dma_semaphore, #tpu.memory_space<semaphore_mem>>)
      %dma_wait3A_102 = tpu.memref_slice %arg3[%select_n3A, %mul3A_32] : memref<4x2048xi32, #tpu.memory_space<hbm>> -> memref<1x256xi32, #tpu.memory_space<hbm>>
      %dma_wait3A_103 = tpu.memref_squeeze %dma_wait3A_102 : memref<1x256xi32, #tpu.memory_space<hbm>> -> memref<256xi32, #tpu.memory_space<hbm>>
      %dma_wait3A_104 = tpu.memref_slice %arg3[%select_n3A, %mul3A_32] : memref<4x2048xi32, #tpu.memory_space<hbm>> -> memref<1x256xi32, #tpu.memory_space<hbm>>
      %dma_wait3A_105 = tpu.memref_squeeze %dma_wait3A_104 : memref<1x256xi32, #tpu.memory_space<hbm>> -> memref<256xi32, #tpu.memory_space<hbm>>
      tpu.wait_dma2 semaphore(%run_scoped3A : memref<!tpu.dma_semaphore, #tpu.memory_space<semaphore_mem>>) src(%dma_wait3A_105 : memref<256xi32, #tpu.memory_space<hbm>>) dst(%arg5 : memref<256xi32, #tpu.memory_space<vmem>>)
      tpu.yield
    }) : () -> ()
    %dma_start3A = arith.constant 0 : i32
    %dma_start3A_33 = tpu.memref_slice %arg5[%dma_start3A] : memref<256xi32, #tpu.memory_space<vmem>> -> memref<8xi32, #tpu.memory_space<vmem>>
    %dma_start3A_34 = arith.constant 0 : i32
    %dma_start3A_35 = arith.constant 0 : i32
    %dma_start3A_36 = tpu.memref_slice %arg2[%dma_start3A_34, %dma_start3A_35] : memref<32000x4096xf32, #tpu.memory_space<hbm>> -> memref<32000x4096xf32, #tpu.memory_space<hbm>>
    tpu.enqueue_indirect_dma source(%dma_start3A_36 : memref<32000x4096xf32, #tpu.memory_space<hbm>>) target(%arg6 : memref<8x4096xf32, #tpu.memory_space<vmem>>) offsets(%dma_start3A_33 : memref<8xi32, #tpu.memory_space<vmem>>) semaphore(%arg9 : memref<!tpu.dma_semaphore, #tpu.memory_space<semaphore_mem>>)
    %dma_start3A_37 = arith.constant 8 : i32
    %dma_start3A_38 = tpu.memref_slice %arg5[%dma_start3A_37] : memref<256xi32, #tpu.memory_space<vmem>> -> memref<8xi32, #tpu.memory_space<vmem>>
    %dma_start3A_39 = arith.constant 0 : i32
    %dma_start3A_40 = arith.constant 0 : i32
    %dma_start3A_41 = tpu.memref_slice %arg2[%dma_start3A_39, %dma_start3A_40] : memref<32000x4096xf32, #tpu.memory_space<hbm>> -> memref<32000x4096xf32, #tpu.memory_space<hbm>>
    tpu.enqueue_indirect_dma source(%dma_start3A_41 : memref<32000x4096xf32, #tpu.memory_space<hbm>>) target(%arg7 : memref<8x4096xf32, #tpu.memory_space<vmem>>) offsets(%dma_start3A_38 : memref<8xi32, #tpu.memory_space<vmem>>) semaphore(%arg10 : memref<!tpu.dma_semaphore, #tpu.memory_space<semaphore_mem>>)
    %dma_start3A_42 = arith.constant 16 : i32
    %dma_start3A_43 = tpu.memref_slice %arg5[%dma_start3A_42] : memref<256xi32, #tpu.memory_space<vmem>> -> memref<8xi32, #tpu.memory_space<vmem>>
    %dma_start3A_44 = arith.constant 0 : i32
    %dma_start3A_45 = arith.constant 0 : i32
    %dma_start3A_46 = tpu.memref_slice %arg2[%dma_start3A_44, %dma_start3A_45] : memref<32000x4096xf32, #tpu.memory_space<hbm>> -> memref<32000x4096xf32, #tpu.memory_space<hbm>>
    tpu.enqueue_indirect_dma source(%dma_start3A_46 : memref<32000x4096xf32, #tpu.memory_space<hbm>>) target(%arg8 : memref<8x4096xf32, #tpu.memory_space<vmem>>) offsets(%dma_start3A_43 : memref<8xi32, #tpu.memory_space<vmem>>) semaphore(%arg11 : memref<!tpu.dma_semaphore, #tpu.memory_space<semaphore_mem>>)
    %scan3A = arith.constant 0 : i32
    %scan3A_47 = arith.constant 0 : i32
    %scan3A_48 = arith.constant 10 : i32
    %scan3A_49 = arith.addi %scan3A_47, %scan3A_48 : i32
    %scan3A_50 = arith.constant 1 : i32
    scf.for %scan3A_98 = %scan3A_47 to %scan3A_49 step %scan3A_50  : i32 {
      %mul3A_99 = arith.constant 3 : i32
      %mul3A_100 = arith.muli %mul3A_99, %scan3A_98 : i32
      %add3A_101 = arith.constant 0 : i32
      %add3A_102 = arith.addi %mul3A_100, %add3A_101 : i32
      %mul3A_103 = arith.constant 8 : i32
      %mul3A_104 = arith.muli %add3A_102, %mul3A_103 : i32
      %dma_wait3A_105 = tpu.memref_slice %arg5[%mul3A_104] : memref<256xi32, #tpu.memory_space<vmem>> -> memref<8xi32, #tpu.memory_space<vmem>>
      %dma_wait3A_106 = arith.constant 0 : i32
      %dma_wait3A_107 = arith.constant 0 : i32
      %dma_wait3A_108 = tpu.memref_slice %arg2[%dma_wait3A_106, %dma_wait3A_107] : memref<32000x4096xf32, #tpu.memory_space<hbm>> -> memref<32000x4096xf32, #tpu.memory_space<hbm>>
      tpu.wait_indirect_dma semaphore(%arg9 : memref<!tpu.dma_semaphore, #tpu.memory_space<semaphore_mem>>) src(%dma_wait3A_108 : memref<32000x4096xf32, #tpu.memory_space<hbm>>) dst(%arg6 : memref<8x4096xf32, #tpu.memory_space<vmem>>)
      %mul3A_109 = arith.constant 8 : i32
      %mul3A_110 = arith.muli %add3A_102, %mul3A_109 : i32
      %add3A_111 = arith.addi %mul3A_32, %mul3A_110 : i32
      %dma_start3A_112 = arith.constant 0 : i32
      %dma_start3A_113 = tpu.memref_slice %arg4[%select_n3A, %add3A_111, %dma_start3A_112] : memref<4x2048x4096xf32, #tpu.memory_space<hbm>> -> memref<1x8x4096xf32, #tpu.memory_space<hbm>>
      %dma_start3A_114 = tpu.memref_squeeze %dma_start3A_113 : memref<1x8x4096xf32, #tpu.memory_space<hbm>> -> memref<8x4096xf32, #tpu.memory_space<hbm>>
      %dma_start3A_115 = arith.constant 0 : i32
      %dma_start3A_116 = tpu.memref_slice %arg4[%select_n3A, %add3A_111, %dma_start3A_115] : memref<4x2048x4096xf32, #tpu.memory_space<hbm>> -> memref<1x8x4096xf32, #tpu.memory_space<hbm>>
      %dma_start3A_117 = tpu.memref_squeeze %dma_start3A_116 : memref<1x8x4096xf32, #tpu.memory_space<hbm>> -> memref<8x4096xf32, #tpu.memory_space<hbm>>
      tpu.enqueue_dma source(%arg6 : memref<8x4096xf32, #tpu.memory_space<vmem>>) target(%dma_start3A_117 : memref<8x4096xf32, #tpu.memory_space<hbm>>) target_semaphore(%arg12 : memref<!tpu.dma_semaphore, #tpu.memory_space<semaphore_mem>>)
      %mul3A_118 = arith.constant 8 : i32
      %mul3A_119 = arith.muli %add3A_102, %mul3A_118 : i32
      %add3A_120 = arith.addi %mul3A_32, %mul3A_119 : i32
      %dma_wait3A_121 = arith.constant 0 : i32
      %dma_wait3A_122 = tpu.memref_slice %arg4[%select_n3A, %add3A_120, %dma_wait3A_121] : memref<4x2048x4096xf32, #tpu.memory_space<hbm>> -> memref<1x8x4096xf32, #tpu.memory_space<hbm>>
      %dma_wait3A_123 = tpu.memref_squeeze %dma_wait3A_122 : memref<1x8x4096xf32, #tpu.memory_space<hbm>> -> memref<8x4096xf32, #tpu.memory_space<hbm>>
      %dma_wait3A_124 = arith.constant 0 : i32
      %dma_wait3A_125 = tpu.memref_slice %arg4[%select_n3A, %add3A_120, %dma_wait3A_124] : memref<4x2048x4096xf32, #tpu.memory_space<hbm>> -> memref<1x8x4096xf32, #tpu.memory_space<hbm>>
      %dma_wait3A_126 = tpu.memref_squeeze %dma_wait3A_125 : memref<1x8x4096xf32, #tpu.memory_space<hbm>> -> memref<8x4096xf32, #tpu.memory_space<hbm>>
      tpu.wait_dma2 semaphore(%arg12 : memref<!tpu.dma_semaphore, #tpu.memory_space<semaphore_mem>>) src(%arg6 : memref<8x4096xf32, #tpu.memory_space<vmem>>) dst(%dma_wait3A_126 : memref<8x4096xf32, #tpu.memory_space<hbm>>)
      %add3A_127 = arith.constant 3 : i32
      %add3A_128 = arith.addi %add3A_102, %add3A_127 : i32
      %min3A = arith.constant 31 : i32
      %min3A_129 = arith.minsi %add3A_128, %min3A : i32
      %mul3A_130 = arith.constant 8 : i32
      %mul3A_131 = arith.muli %min3A_129, %mul3A_130 : i32
      %dma_start3A_132 = tpu.memref_slice %arg5[%mul3A_131] : memref<256xi32, #tpu.memory_space<vmem>> -> memref<8xi32, #tpu.memory_space<vmem>>
      %dma_start3A_133 = arith.constant 0 : i32
      %dma_start3A_134 = arith.constant 0 : i32
      %dma_start3A_135 = tpu.memref_slice %arg2[%dma_start3A_133, %dma_start3A_134] : memref<32000x4096xf32, #tpu.memory_space<hbm>> -> memref<32000x4096xf32, #tpu.memory_space<hbm>>
      tpu.enqueue_indirect_dma source(%dma_start3A_135 : memref<32000x4096xf32, #tpu.memory_space<hbm>>) target(%arg6 : memref<8x4096xf32, #tpu.memory_space<vmem>>) offsets(%dma_start3A_132 : memref<8xi32, #tpu.memory_space<vmem>>) semaphore(%arg9 : memref<!tpu.dma_semaphore, #tpu.memory_space<semaphore_mem>>)
      %mul3A_136 = arith.constant 3 : i32
      %mul3A_137 = arith.muli %mul3A_136, %scan3A_98 : i32
      %add3A_138 = arith.constant 1 : i32
      %add3A_139 = arith.addi %mul3A_137, %add3A_138 : i32
      %mul3A_140 = arith.constant 8 : i32
      %mul3A_141 = arith.muli %add3A_139, %mul3A_140 : i32
      %dma_wait3A_142 = tpu.memref_slice %arg5[%mul3A_141] : memref<256xi32, #tpu.memory_space<vmem>> -> memref<8xi32, #tpu.memory_space<vmem>>
      %dma_wait3A_143 = arith.constant 0 : i32
      %dma_wait3A_144 = arith.constant 0 : i32
      %dma_wait3A_145 = tpu.memref_slice %arg2[%dma_wait3A_143, %dma_wait3A_144] : memref<32000x4096xf32, #tpu.memory_space<hbm>> -> memref<32000x4096xf32, #tpu.memory_space<hbm>>
      tpu.wait_indirect_dma semaphore(%arg10 : memref<!tpu.dma_semaphore, #tpu.memory_space<semaphore_mem>>) src(%dma_wait3A_145 : memref<32000x4096xf32, #tpu.memory_space<hbm>>) dst(%arg7 : memref<8x4096xf32, #tpu.memory_space<vmem>>)
      %mul3A_146 = arith.constant 8 : i32
      %mul3A_147 = arith.muli %add3A_139, %mul3A_146 : i32
      %add3A_148 = arith.addi %mul3A_32, %mul3A_147 : i32
      %dma_start3A_149 = arith.constant 0 : i32
      %dma_start3A_150 = tpu.memref_slice %arg4[%select_n3A, %add3A_148, %dma_start3A_149] : memref<4x2048x4096xf32, #tpu.memory_space<hbm>> -> memref<1x8x4096xf32, #tpu.memory_space<hbm>>
      %dma_start3A_151 = tpu.memref_squeeze %dma_start3A_150 : memref<1x8x4096xf32, #tpu.memory_space<hbm>> -> memref<8x4096xf32, #tpu.memory_space<hbm>>
      %dma_start3A_152 = arith.constant 0 : i32
      %dma_start3A_153 = tpu.memref_slice %arg4[%select_n3A, %add3A_148, %dma_start3A_152] : memref<4x2048x4096xf32, #tpu.memory_space<hbm>> -> memref<1x8x4096xf32, #tpu.memory_space<hbm>>
      %dma_start3A_154 = tpu.memref_squeeze %dma_start3A_153 : memref<1x8x4096xf32, #tpu.memory_space<hbm>> -> memref<8x4096xf32, #tpu.memory_space<hbm>>
      tpu.enqueue_dma source(%arg7 : memref<8x4096xf32, #tpu.memory_space<vmem>>) target(%dma_start3A_154 : memref<8x4096xf32, #tpu.memory_space<hbm>>) target_semaphore(%arg13 : memref<!tpu.dma_semaphore, #tpu.memory_space<semaphore_mem>>)
      %mul3A_155 = arith.constant 8 : i32
      %mul3A_156 = arith.muli %add3A_139, %mul3A_155 : i32
      %add3A_157 = arith.addi %mul3A_32, %mul3A_156 : i32
      %dma_wait3A_158 = arith.constant 0 : i32
      %dma_wait3A_159 = tpu.memref_slice %arg4[%select_n3A, %add3A_157, %dma_wait3A_158] : memref<4x2048x4096xf32, #tpu.memory_space<hbm>> -> memref<1x8x4096xf32, #tpu.memory_space<hbm>>
      %dma_wait3A_160 = tpu.memref_squeeze %dma_wait3A_159 : memref<1x8x4096xf32, #tpu.memory_space<hbm>> -> memref<8x4096xf32, #tpu.memory_space<hbm>>
      %dma_wait3A_161 = arith.constant 0 : i32
      %dma_wait3A_162 = tpu.memref_slice %arg4[%select_n3A, %add3A_157, %dma_wait3A_161] : memref<4x2048x4096xf32, #tpu.memory_space<hbm>> -> memref<1x8x4096xf32, #tpu.memory_space<hbm>>
      %dma_wait3A_163 = tpu.memref_squeeze %dma_wait3A_162 : memref<1x8x4096xf32, #tpu.memory_space<hbm>> -> memref<8x4096xf32, #tpu.memory_space<hbm>>
      tpu.wait_dma2 semaphore(%arg13 : memref<!tpu.dma_semaphore, #tpu.memory_space<semaphore_mem>>) src(%arg7 : memref<8x4096xf32, #tpu.memory_space<vmem>>) dst(%dma_wait3A_163 : memref<8x4096xf32, #tpu.memory_space<hbm>>)
      %add3A_164 = arith.constant 3 : i32
      %add3A_165 = arith.addi %add3A_139, %add3A_164 : i32
      %min3A_166 = arith.constant 31 : i32
      %min3A_167 = arith.minsi %add3A_165, %min3A_166 : i32
      %mul3A_168 = arith.constant 8 : i32
      %mul3A_169 = arith.muli %min3A_167, %mul3A_168 : i32
      %dma_start3A_170 = tpu.memref_slice %arg5[%mul3A_169] : memref<256xi32, #tpu.memory_space<vmem>> -> memref<8xi32, #tpu.memory_space<vmem>>
      %dma_start3A_171 = arith.constant 0 : i32
      %dma_start3A_172 = arith.constant 0 : i32
      %dma_start3A_173 = tpu.memref_slice %arg2[%dma_start3A_171, %dma_start3A_172] : memref<32000x4096xf32, #tpu.memory_space<hbm>> -> memref<32000x4096xf32, #tpu.memory_space<hbm>>
      tpu.enqueue_indirect_dma source(%dma_start3A_173 : memref<32000x4096xf32, #tpu.memory_space<hbm>>) target(%arg7 : memref<8x4096xf32, #tpu.memory_space<vmem>>) offsets(%dma_start3A_170 : memref<8xi32, #tpu.memory_space<vmem>>) semaphore(%arg10 : memref<!tpu.dma_semaphore, #tpu.memory_space<semaphore_mem>>)
      %mul3A_174 = arith.constant 3 : i32
      %mul3A_175 = arith.muli %mul3A_174, %scan3A_98 : i32
      %add3A_176 = arith.constant 2 : i32
      %add3A_177 = arith.addi %mul3A_175, %add3A_176 : i32
      %mul3A_178 = arith.constant 8 : i32
      %mul3A_179 = arith.muli %add3A_177, %mul3A_178 : i32
      %dma_wait3A_180 = tpu.memref_slice %arg5[%mul3A_179] : memref<256xi32, #tpu.memory_space<vmem>> -> memref<8xi32, #tpu.memory_space<vmem>>
      %dma_wait3A_181 = arith.constant 0 : i32
      %dma_wait3A_182 = arith.constant 0 : i32
      %dma_wait3A_183 = tpu.memref_slice %arg2[%dma_wait3A_181, %dma_wait3A_182] : memref<32000x4096xf32, #tpu.memory_space<hbm>> -> memref<32000x4096xf32, #tpu.memory_space<hbm>>
      tpu.wait_indirect_dma semaphore(%arg11 : memref<!tpu.dma_semaphore, #tpu.memory_space<semaphore_mem>>) src(%dma_wait3A_183 : memref<32000x4096xf32, #tpu.memory_space<hbm>>) dst(%arg8 : memref<8x4096xf32, #tpu.memory_space<vmem>>)
      %mul3A_184 = arith.constant 8 : i32
      %mul3A_185 = arith.muli %add3A_177, %mul3A_184 : i32
      %add3A_186 = arith.addi %mul3A_32, %mul3A_185 : i32
      %dma_start3A_187 = arith.constant 0 : i32
      %dma_start3A_188 = tpu.memref_slice %arg4[%select_n3A, %add3A_186, %dma_start3A_187] : memref<4x2048x4096xf32, #tpu.memory_space<hbm>> -> memref<1x8x4096xf32, #tpu.memory_space<hbm>>
      %dma_start3A_189 = tpu.memref_squeeze %dma_start3A_188 : memref<1x8x4096xf32, #tpu.memory_space<hbm>> -> memref<8x4096xf32, #tpu.memory_space<hbm>>
      %dma_start3A_190 = arith.constant 0 : i32
      %dma_start3A_191 = tpu.memref_slice %arg4[%select_n3A, %add3A_186, %dma_start3A_190] : memref<4x2048x4096xf32, #tpu.memory_space<hbm>> -> memref<1x8x4096xf32, #tpu.memory_space<hbm>>
      %dma_start3A_192 = tpu.memref_squeeze %dma_start3A_191 : memref<1x8x4096xf32, #tpu.memory_space<hbm>> -> memref<8x4096xf32, #tpu.memory_space<hbm>>
      tpu.enqueue_dma source(%arg8 : memref<8x4096xf32, #tpu.memory_space<vmem>>) target(%dma_start3A_192 : memref<8x4096xf32, #tpu.memory_space<hbm>>) target_semaphore(%arg14 : memref<!tpu.dma_semaphore, #tpu.memory_space<semaphore_mem>>)
      %mul3A_193 = arith.constant 8 : i32
      %mul3A_194 = arith.muli %add3A_177, %mul3A_193 : i32
      %add3A_195 = arith.addi %mul3A_32, %mul3A_194 : i32
      %dma_wait3A_196 = arith.constant 0 : i32
      %dma_wait3A_197 = tpu.memref_slice %arg4[%select_n3A, %add3A_195, %dma_wait3A_196] : memref<4x2048x4096xf32, #tpu.memory_space<hbm>> -> memref<1x8x4096xf32, #tpu.memory_space<hbm>>
      %dma_wait3A_198 = tpu.memref_squeeze %dma_wait3A_197 : memref<1x8x4096xf32, #tpu.memory_space<hbm>> -> memref<8x4096xf32, #tpu.memory_space<hbm>>
      %dma_wait3A_199 = arith.constant 0 : i32
      %dma_wait3A_200 = tpu.memref_slice %arg4[%select_n3A, %add3A_195, %dma_wait3A_199] : memref<4x2048x4096xf32, #tpu.memory_space<hbm>> -> memref<1x8x4096xf32, #tpu.memory_space<hbm>>
      %dma_wait3A_201 = tpu.memref_squeeze %dma_wait3A_200 : memref<1x8x4096xf32, #tpu.memory_space<hbm>> -> memref<8x4096xf32, #tpu.memory_space<hbm>>
      tpu.wait_dma2 semaphore(%arg14 : memref<!tpu.dma_semaphore, #tpu.memory_space<semaphore_mem>>) src(%arg8 : memref<8x4096xf32, #tpu.memory_space<vmem>>) dst(%dma_wait3A_201 : memref<8x4096xf32, #tpu.memory_space<hbm>>)
      %add3A_202 = arith.constant 3 : i32
      %add3A_203 = arith.addi %add3A_177, %add3A_202 : i32
      %min3A_204 = arith.constant 31 : i32
      %min3A_205 = arith.minsi %add3A_203, %min3A_204 : i32
      %mul3A_206 = arith.constant 8 : i32
      %mul3A_207 = arith.muli %min3A_205, %mul3A_206 : i32
      %dma_start3A_208 = tpu.memref_slice %arg5[%mul3A_207] : memref<256xi32, #tpu.memory_space<vmem>> -> memref<8xi32, #tpu.memory_space<vmem>>
      %dma_start3A_209 = arith.constant 0 : i32
      %dma_start3A_210 = arith.constant 0 : i32
      %dma_start3A_211 = tpu.memref_slice %arg2[%dma_start3A_209, %dma_start3A_210] : memref<32000x4096xf32, #tpu.memory_space<hbm>> -> memref<32000x4096xf32, #tpu.memory_space<hbm>>
      tpu.enqueue_indirect_dma source(%dma_start3A_211 : memref<32000x4096xf32, #tpu.memory_space<hbm>>) target(%arg8 : memref<8x4096xf32, #tpu.memory_space<vmem>>) offsets(%dma_start3A_208 : memref<8xi32, #tpu.memory_space<vmem>>) semaphore(%arg11 : memref<!tpu.dma_semaphore, #tpu.memory_space<semaphore_mem>>)
    }
    %scan3A_51 = arith.constant 10 : i32
    %dma_wait3A = arith.constant 240 : i32
    %dma_wait3A_52 = tpu.memref_slice %arg5[%dma_wait3A] : memref<256xi32, #tpu.memory_space<vmem>> -> memref<8xi32, #tpu.memory_space<vmem>>
    %dma_wait3A_53 = arith.constant 0 : i32
    %dma_wait3A_54 = arith.constant 0 : i32
    %dma_wait3A_55 = tpu.memref_slice %arg2[%dma_wait3A_53, %dma_wait3A_54] : memref<32000x4096xf32, #tpu.memory_space<hbm>> -> memref<32000x4096xf32, #tpu.memory_space<hbm>>
    tpu.wait_indirect_dma semaphore(%arg9 : memref<!tpu.dma_semaphore, #tpu.memory_space<semaphore_mem>>) src(%dma_wait3A_55 : memref<32000x4096xf32, #tpu.memory_space<hbm>>) dst(%arg6 : memref<8x4096xf32, #tpu.memory_space<vmem>>)
    %add3A_56 = arith.constant 240 : i32
    %add3A_57 = arith.addi %mul3A_32, %add3A_56 : i32
    %dma_start3A_58 = arith.constant 0 : i32
    %dma_start3A_59 = tpu.memref_slice %arg4[%select_n3A, %add3A_57, %dma_start3A_58] : memref<4x2048x4096xf32, #tpu.memory_space<hbm>> -> memref<1x8x4096xf32, #tpu.memory_space<hbm>>
    %dma_start3A_60 = tpu.memref_squeeze %dma_start3A_59 : memref<1x8x4096xf32, #tpu.memory_space<hbm>> -> memref<8x4096xf32, #tpu.memory_space<hbm>>
    %dma_start3A_61 = arith.constant 0 : i32
    %dma_start3A_62 = tpu.memref_slice %arg4[%select_n3A, %add3A_57, %dma_start3A_61] : memref<4x2048x4096xf32, #tpu.memory_space<hbm>> -> memref<1x8x4096xf32, #tpu.memory_space<hbm>>
    %dma_start3A_63 = tpu.memref_squeeze %dma_start3A_62 : memref<1x8x4096xf32, #tpu.memory_space<hbm>> -> memref<8x4096xf32, #tpu.memory_space<hbm>>
    tpu.enqueue_dma source(%arg6 : memref<8x4096xf32, #tpu.memory_space<vmem>>) target(%dma_start3A_63 : memref<8x4096xf32, #tpu.memory_space<hbm>>) target_semaphore(%arg12 : memref<!tpu.dma_semaphore, #tpu.memory_space<semaphore_mem>>)
    %dma_wait3A_64 = arith.constant 248 : i32
    %dma_wait3A_65 = tpu.memref_slice %arg5[%dma_wait3A_64] : memref<256xi32, #tpu.memory_space<vmem>> -> memref<8xi32, #tpu.memory_space<vmem>>
    %dma_wait3A_66 = arith.constant 0 : i32
    %dma_wait3A_67 = arith.constant 0 : i32
    %dma_wait3A_68 = tpu.memref_slice %arg2[%dma_wait3A_66, %dma_wait3A_67] : memref<32000x4096xf32, #tpu.memory_space<hbm>> -> memref<32000x4096xf32, #tpu.memory_space<hbm>>
    tpu.wait_indirect_dma semaphore(%arg10 : memref<!tpu.dma_semaphore, #tpu.memory_space<semaphore_mem>>) src(%dma_wait3A_68 : memref<32000x4096xf32, #tpu.memory_space<hbm>>) dst(%arg7 : memref<8x4096xf32, #tpu.memory_space<vmem>>)
    %add3A_69 = arith.constant 248 : i32
    %add3A_70 = arith.addi %mul3A_32, %add3A_69 : i32
    %dma_start3A_71 = arith.constant 0 : i32
    %dma_start3A_72 = tpu.memref_slice %arg4[%select_n3A, %add3A_70, %dma_start3A_71] : memref<4x2048x4096xf32, #tpu.memory_space<hbm>> -> memref<1x8x4096xf32, #tpu.memory_space<hbm>>
    %dma_start3A_73 = tpu.memref_squeeze %dma_start3A_72 : memref<1x8x4096xf32, #tpu.memory_space<hbm>> -> memref<8x4096xf32, #tpu.memory_space<hbm>>
    %dma_start3A_74 = arith.constant 0 : i32
    %dma_start3A_75 = tpu.memref_slice %arg4[%select_n3A, %add3A_70, %dma_start3A_74] : memref<4x2048x4096xf32, #tpu.memory_space<hbm>> -> memref<1x8x4096xf32, #tpu.memory_space<hbm>>
    %dma_start3A_76 = tpu.memref_squeeze %dma_start3A_75 : memref<1x8x4096xf32, #tpu.memory_space<hbm>> -> memref<8x4096xf32, #tpu.memory_space<hbm>>
    tpu.enqueue_dma source(%arg7 : memref<8x4096xf32, #tpu.memory_space<vmem>>) target(%dma_start3A_76 : memref<8x4096xf32, #tpu.memory_space<hbm>>) target_semaphore(%arg13 : memref<!tpu.dma_semaphore, #tpu.memory_space<semaphore_mem>>)
    %dma_wait3A_77 = arith.constant 248 : i32
    %dma_wait3A_78 = tpu.memref_slice %arg5[%dma_wait3A_77] : memref<256xi32, #tpu.memory_space<vmem>> -> memref<8xi32, #tpu.memory_space<vmem>>
    %dma_wait3A_79 = arith.constant 0 : i32
    %dma_wait3A_80 = arith.constant 0 : i32
    %dma_wait3A_81 = tpu.memref_slice %arg2[%dma_wait3A_79, %dma_wait3A_80] : memref<32000x4096xf32, #tpu.memory_space<hbm>> -> memref<32000x4096xf32, #tpu.memory_space<hbm>>
    tpu.wait_indirect_dma semaphore(%arg11 : memref<!tpu.dma_semaphore, #tpu.memory_space<semaphore_mem>>) src(%dma_wait3A_81 : memref<32000x4096xf32, #tpu.memory_space<hbm>>) dst(%arg8 : memref<8x4096xf32, #tpu.memory_space<vmem>>)
    %add3A_82 = arith.constant 240 : i32
    %add3A_83 = arith.addi %mul3A_32, %add3A_82 : i32
    %dma_wait3A_84 = arith.constant 0 : i32
    %dma_wait3A_85 = tpu.memref_slice %arg4[%select_n3A, %add3A_83, %dma_wait3A_84] : memref<4x2048x4096xf32, #tpu.memory_space<hbm>> -> memref<1x8x4096xf32, #tpu.memory_space<hbm>>
    %dma_wait3A_86 = tpu.memref_squeeze %dma_wait3A_85 : memref<1x8x4096xf32, #tpu.memory_space<hbm>> -> memref<8x4096xf32, #tpu.memory_space<hbm>>
    %dma_wait3A_87 = arith.constant 0 : i32
    %dma_wait3A_88 = tpu.memref_slice %arg4[%select_n3A, %add3A_83, %dma_wait3A_87] : memref<4x2048x4096xf32, #tpu.memory_space<hbm>> -> memref<1x8x4096xf32, #tpu.memory_space<hbm>>
    %dma_wait3A_89 = tpu.memref_squeeze %dma_wait3A_88 : memref<1x8x4096xf32, #tpu.memory_space<hbm>> -> memref<8x4096xf32, #tpu.memory_space<hbm>>
    tpu.wait_dma2 semaphore(%arg12 : memref<!tpu.dma_semaphore, #tpu.memory_space<semaphore_mem>>) src(%arg6 : memref<8x4096xf32, #tpu.memory_space<vmem>>) dst(%dma_wait3A_89 : memref<8x4096xf32, #tpu.memory_space<hbm>>)
    %add3A_90 = arith.constant 248 : i32
    %add3A_91 = arith.addi %mul3A_32, %add3A_90 : i32
    %dma_wait3A_92 = arith.constant 0 : i32
    %dma_wait3A_93 = tpu.memref_slice %arg4[%select_n3A, %add3A_91, %dma_wait3A_92] : memref<4x2048x4096xf32, #tpu.memory_space<hbm>> -> memref<1x8x4096xf32, #tpu.memory_space<hbm>>
    %dma_wait3A_94 = tpu.memref_squeeze %dma_wait3A_93 : memref<1x8x4096xf32, #tpu.memory_space<hbm>> -> memref<8x4096xf32, #tpu.memory_space<hbm>>
    %dma_wait3A_95 = arith.constant 0 : i32
    %dma_wait3A_96 = tpu.memref_slice %arg4[%select_n3A, %add3A_91, %dma_wait3A_95] : memref<4x2048x4096xf32, #tpu.memory_space<hbm>> -> memref<1x8x4096xf32, #tpu.memory_space<hbm>>
    %dma_wait3A_97 = tpu.memref_squeeze %dma_wait3A_96 : memref<1x8x4096xf32, #tpu.memory_space<hbm>> -> memref<8x4096xf32, #tpu.memory_space<hbm>>
    tpu.wait_dma2 semaphore(%arg13 : memref<!tpu.dma_semaphore, #tpu.memory_space<semaphore_mem>>) src(%arg7 : memref<8x4096xf32, #tpu.memory_space<vmem>>) dst(%dma_wait3A_97 : memref<8x4096xf32, #tpu.memory_space<hbm>>)
    return
  }
}

</mosaic_0001>

<sc_bundles>
// kernel: kernel.3.cloned.1.call-start
scs
__scs_entry_jumppad:
0x0: {  	(pc) =	sbr.rel $0x88, $3  }
0x1: {  	(tag) =	ssettag $0x0;
	lr =	simm.s32 $0x1  }
0x2: {  	[smem:$0x3F9F] =	sst lr;
	_ =	strace $0xD0000000  }
0x3: {  	_ = 	snop  }
0x4: {  	_ = 	snop  }
0x5: {  	_ = 	snop  }
0x6: {  	_ = 	snop  }
0x7: {  	_ = 	snop  }
__scs_overlays_trampoline_lowered:
0x8: {  	[smem:$0x3FAE] =	sst s0  }
0x9: {  	[smem:$0x3FAF] =	sst s1  }
0xa: {  	[smem:$0x3FB0] =	sst s2  }
0xb: {  	[smem:$0x3FB1] =	sst s3  }
0xc: {  	[smem:$0x3FB2] =	sst s4  }
0xd: {  	[smem:$0x3FB3] =	sst s5  }
0xe: {  	[smem:$0x3FB4] =	sst s6  }
0xf: {  	[smem:$0x3FB5] =	sst s7  }
0x10: {  	[smem:$0x3FB6] =	sst s8  }
0x11: {  	[smem:$0x3FB7] =	sst s9;
	s0 =	simm.s32 @!p0 $0x0  }
0x12: {  	s1 =	sld [smem:$0x3F9D];
	s0 =	simm.s32 @p0 $0x1  }
0x13: {  	[smem:$0x3FB8] =	sst s0;
	s0 =	simm.s32 @!p1 $0x0  }
0x14: {  	s2 =	sld [smem:$0x3F9C];
	s0 =	simm.s32 @p1 $0x1  }
0x15: {  	[smem:$0x3FB9] =	sst s0;
	s0 =	simm.s32 @!p2 $0x0  }
0x16: {  	s3 =	sld [smem:$0x3FDB];
	s0 =	simm.s32 @p2 $0x1  }
0x17: {  	s4 =	simm.s32 $0x1BF5;
	[smem:$0x3FBB] =	sst s0  }
0x18: {  	s0 =	sld [smem:$0x3F9E];
	_ =	swait.ge [sflag:s4], $0x0  }
0x19: {  	s7 =	sld [smem:$0x3F9F]  }
0x1a: {  	s8 =	sadd.s32 $0xFFFFE003, lr  }
0x1b: {  	s9 =	sadd.s32 $0xFFFFFEF7, lr;
	s5 =	simm.s32 $0xFFFFFFFF;
	p2 =	slt.u32 s8, $0xFFFFF086  }
0x1c: {  	p1 =	slt.u32 s9, $0xF7A;
	s5 =	simm.s32 @!p2 $0x0  }
0x1d: {  	s5 =	simm.s32 @p1 $0x1;
	p0 =	seq.s32 s7, s2  }
0x1e: {  	s7 =	smul.u32 @!p0 $0xF7A, s2;
	p2 =	seq.s32 @!p0 s5, $0x0  }
0x1f: {  	s9 =	smul.u32 $0xF7A, s1;
	s8 =	simm.s32 @!p0 $0x1BF5;
	p2 =	por !p2, p0  }
0x20: {  	[sflag:s8] =	ssyncset.s32 @!p0 $0xFFFFF086;
	s6 =	sadd.s32 @!p0 s3, s7;
	s7 =	simm.s32 @!p0 $0x108  }
0x21: {  	s3 =	sadd.s32 s3, s9;
	s6 =	sadd.s32 @!p0 $0x88, s6;
	s7 =	simm.s32 @p2 $0x1082  }
0x22: {  	[simem:s7], [sflag:s8] =	dma.local @!p0 [hbm:s6], $0xF7A  }
0x23: {  	s9 =	sor.u32 $0xD0000000, s2;
	s6 =	simm.s32 $0x108;
	_ =	swait.ge @!p0 [sflag:s8], $0x0  }
0x24: {  	s3 =	sadd.s32 $0x88, s3;
	s6 =	simm.s32 @!p1 $0x1082;
	[sflag:s4] =	ssyncset.s32 $0xFFFFF086  }
0x25: {  	[simem:s6], [sflag:s4] =	dma.local [hbm:s3], $0xF7A  }
0x26: {  	[smem:$0x3F9F] =	sst s1;
	(tag) =	ssettag s2;
	_ =	strace s9  }
0x27: {  	s1 =	sld [smem:$0x3FAF]  }
0x28: {  	s2 =	sld [smem:$0x3FB0]  }
0x29: {  	s4 =	sld [smem:$0x3FB2]  }
0x2a: {  	p0 =	seq.s32 s5, $0x0;
	s5 =	sld [smem:$0x3FB3]  }
0x2b: {  	s6 =	sld [smem:$0x3FB4]  }
0x2c: {  	s7 =	sld [smem:$0x3FB5]  }
0x2d: {  	s3 =	simm.s32 $0x108;
	s8 =	sld [smem:$0x3FB6]  }
0x2e: {  	s3 =	simm.s32 @!p0 $0x1082;
	s9 =	sld [smem:$0x3FB7]  }
0x2f: {  	lr =	sadd.s32 s0, s3;
	s0 =	sld [smem:$0x3FAE]  }
0x30: {  	s3 =	sld [smem:$0x3FB1]  }
0x31: {  	[smem:$0x3FBA] =	sst s10  }
0x32: {  	s10 =	sld [smem:$0x3FB8];
	_ =	sdelay $0x3  }
0x33: {  	p0 =	seq.s32 s10, $0x1;
	s10 =	sld [smem:$0x3FBA];
	_ =	sdelay $0x3  }
0x34: {  	[smem:$0x3FBA] =	sst s10  }
0x35: {  	s10 =	sld [smem:$0x3FB9];
	_ =	sdelay $0x3  }
0x36: {  	p1 =	seq.s32 s10, $0x1;
	s10 =	sld [smem:$0x3FBA];
	_ =	sdelay $0x3  }
0x37: {  	[smem:$0x3FBA] =	sst s10  }
0x38: {  	s10 =	sld [smem:$0x3FBB]  }
0x39: {  	_ = 	snop;
	(pc) =	sbr.ind lr, $3  }
0x3a: {  	_ = 	snop  }
0x3b: {  	_ = 	snop  }
0x3c: {  	p2 =	seq.s32 s10, $0x1;
	s10 =	sld [smem:$0x3FBA]  }
0x3d: {  	_ =	shalt  }
0x3e: {  	_ =	shalt  }
0x3f: {  	_ =	shalt  }
0x40: {  	_ =	shalt  }
0x41: {  	_ =	shalt  }
0x42: {  	_ =	shalt  }
0x43: {  	_ =	shalt  }
0x44: {  	_ =	shalt  }
0x45: {  	_ =	shalt  }
0x46: {  	_ =	shalt  }
0x47: {  	_ =	shalt  }
0x48: {  	_ =	shalt  }
0x49: {  	_ =	shalt  }
0x4a: {  	_ =	shalt  }
0x4b: {  	_ =	shalt  }
0x4c: {  	_ =	shalt  }
0x4d: {  	_ =	shalt  }
0x4e: {  	_ =	shalt  }
0x4f: {  	_ =	shalt  }
0x50: {  	_ =	shalt  }
0x51: {  	_ =	shalt  }
0x52: {  	_ =	shalt  }
0x53: {  	_ =	shalt  }
0x54: {  	_ =	shalt  }
0x55: {  	_ =	shalt  }
0x56: {  	_ =	shalt  }
0x57: {  	_ =	shalt  }
0x58: {  	_ =	shalt  }
0x59: {  	_ =	shalt  }
0x5a: {  	_ =	shalt  }
0x5b: {  	_ =	shalt  }
0x5c: {  	_ =	shalt  }
0x5d: {  	_ =	shalt  }
0x5e: {  	_ =	shalt  }
0x5f: {  	_ =	shalt  }
0x60: {  	_ =	shalt  }
0x61: {  	_ =	shalt  }
0x62: {  	_ =	shalt  }
0x63: {  	_ =	shalt  }
0x64: {  	_ =	shalt  }
0x65: {  	_ =	shalt  }
0x66: {  	_ =	shalt  }
0x67: {  	_ =	shalt  }
0x68: {  	_ =	shalt  }
0x69: {  	_ =	shalt  }
0x6a: {  	_ =	shalt  }
0x6b: {  	_ =	shalt  }
0x6c: {  	_ =	shalt  }
0x6d: {  	_ =	shalt  }
0x6e: {  	_ =	shalt  }
0x6f: {  	_ =	shalt  }
0x70: {  	_ =	shalt  }
0x71: {  	_ =	shalt  }
0x72: {  	_ =	shalt  }
0x73: {  	_ =	shalt  }
0x74: {  	_ =	shalt  }
0x75: {  	_ =	shalt  }
0x76: {  	_ =	shalt  }
0x77: {  	_ =	shalt  }
0x78: {  	_ =	shalt  }
0x79: {  	_ =	shalt  }
0x7a: {  	_ =	shalt  }
0x7b: {  	_ =	shalt  }
0x7c: {  	_ =	shalt  }
0x7d: {  	_ =	shalt  }
0x7e: {  	_ =	shalt  }
0x7f: {  	_ =	shalt  }
0x80: {  	_ =	shalt  }
0x81: {  	_ =	shalt  }
0x82: {  	_ =	shalt  }
0x83: {  	_ =	shalt  }
0x84: {  	_ =	shalt  }
0x85: {  	_ =	shalt  }
0x86: {  	_ =	shalt  }
0x87: {  	_ =	shalt  }
.Lfunc_end0:
.L_simem_size_0:
called_computation_lowered:
.L_overlay_start_0:
0x88: {  	s2 =	sld [smem:$0x3FD9]  }
0x89: {  	s3 =	sld [smem:$0x3FFE];
	_ =	sdelay $0x1  }
0x8a: {  	s1 =	srdreg.scid  }
0x8b: {  	s0 =	sand.u32 $0x1, s1  }
0x8c: {  	s18 =	sshll.u32 s0, $0xA;
	s2 =	sadd.s32 s3, s2  }
0x8d: {  	s2 =	sadd.s32 s2, s18  }
0x8e: {  	[smem:$0x3FC6] =	sst s2  }
0x8f: {  	_ = 	snop  }
0x90: {  	s2 =	sld [smem:$0x3FC9]  }
0x91: {  	s19 =	sld [smem:$0x3FC8]  }
0x92: {  	s4 =	sld [smem:$0x3FD0];
	(tm) =	ssettm $0x1  }
0x93: {  	s5 =	sld [smem:$0x3FFB];
	_ =	sdelay $0x3  }
0x94: {  	_ =	strace s5  }
0x95: {  	s5 =	sld [smem:$0x3FFC];
	_ =	sdelay $0x3  }
0x96: {  	_ =	strace s5  }
0x97: {  	s5 =	sld [smem:$0x3FFD];
	_ =	sdelay $0x3  }
0x98: {  	_ =	strace s5  }
0x99: {  	_ =	strace $0x8FFFFFFF  }
0x9a: {  	s20 =	sld [smem:$0x3FDB];
	_ =	sdelay $0x1  }
0x9b: {  	s6 =	simm.s32 $_scs_section_size  }
0x9c: {  	s7 =	simm.s32 $_size__tile_overlayer_lowered;
	s8 =	simm.s32 $_tile_overlayer_lowered  }
0x9d: {  	s23 =	simm.s32 $0x1BFF;
	s22 =	sshll.u32 s8, $0x1;
	s5 =	sadd.s32 s6, s20  }
0x9e: {  	s9 =	simm.s32 $0x0;
	s21 =	sshll.u32 s7, $0x1;
	s7 =	sadd.s32 s22, s5  }
0x9f: {  	[timem:s9], [sflag:s23] =	dma.local [hbm:s7], s21  }
0xa0: {  	_ =	swait.ge [sflag:s23], s21  }
0xa1: {  	s6 =	ssub.s32 $0x0, s21;
	[sflag:s23] =	ssyncset.done $0x0  }
0xa2: {  	[sflag:s23] =	ssyncadd.s32 s6;
	_ =	sdelay $0x1  }
0xa3: {  	s24 =	simm.s32 $0x1B8B  }
0xa4: {  	_ =	swait.ge [sflag:s24], $0x1  }
0xa5: {  	[sflag:s24] =	ssyncset.done $0x0  }
0xa6: {  	s25 =	simm.s32 $0x1B8E;
	[sflag:s24] =	ssyncadd.s32 $0xFFFFFFFF  }
0xa7: {  	s26 =	simm.s32 $execute0_lowered;
	[smem:$0x3FD2] =	sst s25  }
0xa8: {  	s6 =	sshll.u32 s26, $0x1;
	_ =	strace $0x80000046;
	[dreg:$0x1] =	wrdreg $0xFFFFFFFF  }
0xa9: {  	s28 =	simm.s32 $_size_execute0_lowered;
	s5 =	sadd.s32 s5, s6;
	[dreg:$0x0] =	wrdreg $0x0  }
0xaa: {  	s6 =	sshll.u32 s28, $0x1;
	[dreg:$0x2] =	wrdreg s5  }
0xab: {  	[dreg:$0x3] =	wrdreg s6  }
0xac: {  	[dreg:$0x4] =	wrdreg $0xC0  }
0xad: {  	_ =	task [dreg:s9], $0x5FFFF  }
0xae: {  	[dreg:$0x1] =	wrdreg $0xFFFFFFFF  }
0xaf: {  	[dreg:$0x0] =	wrdreg $0x60  }
0xb0: {  	[dreg:$0x2] =	wrdreg s19  }
0xb1: {  	[dreg:$0x3] =	wrdreg s2  }
0xb2: {  	[dreg:$0x4] =	wrdreg s4  }
0xb3: {  	[dreg:$0x5] =	wrdreg $0x9  }
0xb4: {  	_ =	task.clear_ibuf [dreg:s9], $0x6FFFF;
	_ =	strace $0x90000046  }
0xb5: {  	s29 =	simm.s32 $0x9;
	_ =	strace $0x80000048  }
0xb6: {  	_ =	swait.ge [sflag:s29], $0x1  }
0xb7: {  	[sflag:s29] =	ssyncadd.s32 $0xFFFFFFFF  }
0xb8: {  	_ =	strace $0x90000048  }
0xb9: {  	_ =	sfence  }
0xba: {  	s30 =	sld [smem:$0x0];
	_ =	sdelay $0x2  }
0xbb: {  	s31 =	sshll.u32 s1, $0xD;
	s1 =	sshrl.u32 s1, $0x2  }
0xbc: {  	s3 =	sand.u32 $0x4000, s31;
	s1 =	sadd.s32 s1, s30  }
0xbd: {  	s0 =	sor.u32 s3, s0;
	s1 =	sshll.u32 s1, $0x11  }
0xbe: {  	s0 =	sor.u32 s1, s0  }
0xbf: {  	s0 =	sadd.s32 $0x8F2B, s0  }
0xc0: {  	[sflag:s0] =	ssyncadd.remote.s32 $0x1  }
0xc1: {  	_ =	sfence.sel $0xFFFF  }
0xc2: {  	[dreg:$0x0] =	wrdreg $0xFFFFFFFF;
	(pc) =	sbr.abs _section_cstart, $3  }
0xc3: {  	[dreg:$0x1] =	wrdreg $0xFFFFFFFF  }
0xc4: {  	_ =	task.clear_ibuf [dreg:s9], $0x2FFFF;
	_ =	strace $0x9FFFFFFF  }
0xc5: {  	(tm) =	ssettm $0x7FFFFFFF  }
tec
execute0_lowered:
.L_overlay_start_1:
0x0: {  	(tag) =	ssettag $0x1  }
0x1: {  	s1 =	rddreg [dreg:$0x0]  }
0x2: {  	s0 =	rddreg [dreg:$0x1]  }
0x3: {  	s2 =	rddreg [dreg:$0x2];
	s3 =	simm.s32 $0x0;
	s17 =	stileid.u32  }
0x4: {  	s4 =	srdreg.scid;
	s30 =	simm.s32 $0x2100;
	s29 =	simm.s32 $0x17100  }
0x5: {  	s28 =	simm.s32 $0x1;
	s31 =	simm.s32 $0x4;
	[smem:$0x7FF] =	sst s3  }
0x6: {  	s5 =	sshll.u32 s17, $0x1;
	s4 =	sand.u32 $0x1, s4;
	s18 =	sshrl.u32 s17, $0x2  }
0x7: {  	s9 =	sadd.s32 $0x500, s1;
	s10 =	sadd.s32 $0x600, s1;
	s11 =	sadd.s32 $0x700, s1  }
0x8: {  	s12 =	sadd.s32 $0x800, s1;
	s13 =	sadd.s32 $0x900, s1;
	s14 =	sadd.s32 $0xA00, s1  }
0x9: {  	s15 =	sadd.s32 $0xB00, s1;
	s16 =	sadd.s32 $0xC00, s1;
	s26 =	sand.u32 $0x3, s17  }
0xa: {  	s17 =	sadd.s32 $0xD00, s1;
	_ =	strace $0x80000047;
	s5 =	sand.u32 $0x6, s5  }
0xb: {  	s6 =	ssub.s32 $0x2, s4;
	s25 =	sshll.u32 s18, $0x4;
	s21 =	sshll.u32 s18, $0x17  }
0xc: {  	s18 =	sadd.s32 $0xE00, s1;
	s19 =	sor.u32 s4, s5;
	s7 =	sshrl.u32 s6, $0x1  }
0xd: {  	s0 =	sadd.s32 s0, s25;
	s5 =	sadd.s32 $0x100, s1;
	s4 =	sshll.u32 s4, $0x14  }
0xe: {  	s8 =	sshll.u32 s19, $0x7;
	s20 =	ssub.s32 s6, s7;
	s6 =	sadd.s32 $0x200, s1  }
0xf: {  	s7 =	sadd.s32 $0x300, s1;
	s19 =	sshll.u32 s19, $0x14;
	s0 =	sadd.s32 s8, s0  }
0x10: {  	s8 =	sadd.s32 $0x400, s1;
	[dreg:$0x4] =	wrdreg s0;
	s0 =	sshll.u32 s26, $0x15  }
0x11: {  	s26 =	smax.u32 s20, $0x1;
	s20 =	simm.s32 $0x8100;
	s0 =	sor.u32 s0, s21  }
0x12: {  	s21 =	sor.u32 s21, s19;
	s19 =	sadd.s32 $0xF00, s1;
	s0 =	sor.u32 s4, s0  }
0x13: {  	[dreg:$0xa] =	wrdreg s26;
	s21 =	sshrl.u32 s21, $0x3;
	s22 =	sor.u32 $0x10000, s0  }
0x14: {  	s26 =	simm.s32 $0x3;
	s4 =	sadd.s32 s21, s2;
	s21 =	sshrl.u32 s22, $0x3  }
0x15: {  	s22 =	sor.u32 $0x8000, s0;
	s0 =	sshrl.u32 s0, $0x3;
	s24 =	sadd.s32 $0x1E000, s4  }
0x16: {  	s25 =	sadd.s32 $0x1F000, s4;
	s21 =	sadd.s32 s21, s2;
	[dreg:$0x8] =	wrdreg s24  }
0x17: {  	s23 =	sshrl.u32 s22, $0x3;
	s0 =	sadd.s32 s0, s2;
	[dreg:$0x9] =	wrdreg s25  }
0x18: {  	v0 =	vlaneseq.u32;
	s25 =	simm.s32 $0x900;
	s24 =	simm.s32 $0x1900;
	[dreg:$0x5] =	wrdreg s21  }
0x19: {  	v1 =	vshrl.u32 v0, $0x3;
	s21 =	sadd.s32 s23, s2;
	[dreg:$0x7] =	wrdreg s0;
	s2 =	simm.s32 $0x100  }
0x1a: {  	vm0 =	vmmov $0xffff;
	v0 =	vand.u32 $0x7, v0;
	v1 =	vmul.u32 $0x8, v1;
	s23 =	simm.s32 $0x1100;
	[dreg:$0x6] =	wrdreg s21;
	s21 =	simm.s32 $0x0  }
.LBB2_1:
0x1b: {  	[dreg:$0xb] =	wrdreg s21  }
0x1c: {  	s4 =	rddreg [dreg:$0x4];
	s21 =	simm.s32 $0x80;
	s22 =	simm.s32 $0x200  }
0x1d: {  	[tilespmem:s3], [sflag:$0x7] =	stream.strided.gather [hbm4b:s4+s21], $0x100, s22, s21, $0x38;
	[tilespmem:$0x18100] =	vst v63  }
0x1e: {  	s22 =	simm.s32 $0x7  }
0x1f: {  	_ =	swait.ge [sflag:s22], $0x100  }
0x20: {  	[sflag:s22] =	ssyncset.done $0x0  }
0x21: {  	[sflag:s22] =	ssyncadd.s32 $0xFFFFFF00  }
0x22: {  	v2 =	vld.msk [tilespmem:$0x0], $0xff;
	_ =	sdelay $0x4  }
0x23: {  	v3 =	vshll.u32 v2, $0x5  }
0x24: {  	v2 =	vand.u32 $0x7, v2;
	v3 =	vand.u32 $0xFFFFFF00, v3  }
0x25: {  	v2 =	vor.u32 v2, v3  }
0x26: {  	v2 =	vperm.xlane v2, v0;
	_ =	sdelay $0x1  }
0x27: {  	v2 =	vadd.s32 v1, v2;
	_ =	sdelay $0x4  }
0x28: {  	[tilespmem:s2], [sflag:$0x1] =	stream.indirect_vreg.gather [hbm4b:s1+s3], $0x80, v2, vm0, $0xb8;
	[tilespmem:$0x18100] =	vst v63  }
0x29: {  	_ = 	snop  }
0x2a: {  	[tilespmem:s25], [sflag:$0x1] =	stream.indirect_vreg.gather [hbm4b:s5+s3], $0x80, v2, vm0, $0xb8;
	[tilespmem:$0x18100] =	vst v63  }
0x2b: {  	_ = 	snop  }
0x2c: {  	[tilespmem:s23], [sflag:$0x1] =	stream.indirect_vreg.gather [hbm4b:s6+s3], $0x80, v2, vm0, $0xb8;
	[tilespmem:$0x18100] =	vst v63  }
0x2d: {  	_ = 	snop  }
0x2e: {  	[tilespmem:s24], [sflag:$0x1] =	stream.indirect_vreg.gather [hbm4b:s7+s3], $0x80, v2, vm0, $0xb8;
	[tilespmem:$0x18100] =	vst v63  }
0x2f: {  	_ = 	snop  }
0x30: {  	[tilespmem:s30], [sflag:$0x1] =	stream.indirect_vreg.gather [hbm4b:s8+s3], $0x80, v2, vm0, $0xb8;
	[tilespmem:$0x18100] =	vst v63  }
0x31: {  	s24 =	simm.s32 $0x2900  }
0x32: {  	[tilespmem:s24], [sflag:$0x1] =	stream.indirect_vreg.gather [hbm4b:s9+s3], $0x80, v2, vm0, $0xb8;
	[tilespmem:$0x18100] =	vst v63  }
0x33: {  	s25 =	simm.s32 $0x3100  }
0x34: {  	[tilespmem:s25], [sflag:$0x1] =	stream.indirect_vreg.gather [hbm4b:s10+s3], $0x80, v2, vm0, $0xb8;
	[tilespmem:$0x18100] =	vst v63  }
0x35: {  	s30 =	simm.s32 $0x3900  }
0x36: {  	[tilespmem:s30], [sflag:$0x1] =	stream.indirect_vreg.gather [hbm4b:s11+s3], $0x80, v2, vm0, $0xb8;
	[tilespmem:$0x18100] =	vst v63  }
0x37: {  	s4 =	simm.s32 $0x4100  }
0x38: {  	[tilespmem:s4], [sflag:$0x1] =	stream.indirect_vreg.gather [hbm4b:s12+s3], $0x80, v2, vm0, $0xb8;
	[tilespmem:$0x18100] =	vst v63  }
0x39: {  	s21 =	simm.s32 $0x4900  }
0x3a: {  	[tilespmem:s21], [sflag:$0x1] =	stream.indirect_vreg.gather [hbm4b:s13+s3], $0x80, v2, vm0, $0xb8;
	[tilespmem:$0x18100] =	vst v63  }
0x3b: {  	s22 =	simm.s32 $0x5100  }
0x3c: {  	[tilespmem:s22], [sflag:$0x1] =	stream.indirect_vreg.gather [hbm4b:s14+s3], $0x80, v2, vm0, $0xb8;
	[tilespmem:$0x18100] =	vst v63  }
0x3d: {  	s23 =	simm.s32 $0x5900  }
0x3e: {  	[tilespmem:s23], [sflag:$0x1] =	stream.indirect_vreg.gather [hbm4b:s15+s3], $0x80, v2, vm0, $0xb8;
	[tilespmem:$0x18100] =	vst v63  }
0x3f: {  	s24 =	simm.s32 $0x6100  }
0x40: {  	[tilespmem:s24], [sflag:$0x1] =	stream.indirect_vreg.gather [hbm4b:s16+s3], $0x80, v2, vm0, $0xb8;
	[tilespmem:$0x18100] =	vst v63  }
0x41: {  	s25 =	simm.s32 $0x6900  }
0x42: {  	[tilespmem:s25], [sflag:$0x1] =	stream.indirect_vreg.gather [hbm4b:s17+s3], $0x80, v2, vm0, $0xb8;
	[tilespmem:$0x18100] =	vst v63  }
0x43: {  	s30 =	simm.s32 $0x7100  }
0x44: {  	[tilespmem:s30], [sflag:$0x1] =	stream.indirect_vreg.gather [hbm4b:s18+s3], $0x80, v2, vm0, $0xb8;
	[tilespmem:$0x18100] =	vst v63  }
0x45: {  	s4 =	simm.s32 $0x7900  }
0x46: {  	[tilespmem:s4], [sflag:$0x1] =	stream.indirect_vreg.gather [hbm4b:s19+s3], $0x80, v2, vm0, $0xb8;
	[tilespmem:$0x18100] =	vst v63  }
0x47: {  	v2 =	vld.msk [tilespmem:$0x8], $0xff;
	_ =	sdelay $0x4  }
0x48: {  	v3 =	vshll.u32 v2, $0x5  }
0x49: {  	v2 =	vand.u32 $0x7, v2;
	v3 =	vand.u32 $0xFFFFFF00, v3  }
0x4a: {  	v2 =	vor.u32 v2, v3  }
0x4b: {  	v2 =	vperm.xlane v2, v0;
	_ =	sdelay $0x1  }
0x4c: {  	v2 =	vadd.s32 v1, v2;
	_ =	sdelay $0x4  }
0x4d: {  	[tilespmem:s20], [sflag:$0x2] =	stream.indirect_vreg.gather [hbm4b:s1+s3], $0x80, v2, vm0, $0xb8;
	[tilespmem:$0x18100] =	vst v63  }
0x4e: {  	s20 =	simm.s32 $0x8900  }
0x4f: {  	[tilespmem:s20], [sflag:$0x2] =	stream.indirect_vreg.gather [hbm4b:s5+s3], $0x80, v2, vm0, $0xb8;
	[tilespmem:$0x18100] =	vst v63  }
0x50: {  	s21 =	simm.s32 $0x9100  }
0x51: {  	[tilespmem:s21], [sflag:$0x2] =	stream.indirect_vreg.gather [hbm4b:s6+s3], $0x80, v2, vm0, $0xb8;
	[tilespmem:$0x18100] =	vst v63  }
0x52: {  	s22 =	simm.s32 $0x9900  }
0x53: {  	[tilespmem:s22], [sflag:$0x2] =	stream.indirect_vreg.gather [hbm4b:s7+s3], $0x80, v2, vm0, $0xb8;
	[tilespmem:$0x18100] =	vst v63  }
0x54: {  	s23 =	simm.s32 $0xA100  }
0x55: {  	[tilespmem:s23], [sflag:$0x2] =	stream.indirect_vreg.gather [hbm4b:s8+s3], $0x80, v2, vm0, $0xb8;
	[tilespmem:$0x18100] =	vst v63  }
0x56: {  	s24 =	simm.s32 $0xA900  }
0x57: {  	[tilespmem:s24], [sflag:$0x2] =	stream.indirect_vreg.gather [hbm4b:s9+s3], $0x80, v2, vm0, $0xb8;
	[tilespmem:$0x18100] =	vst v63  }
0x58: {  	s25 =	simm.s32 $0xB100  }
0x59: {  	[tilespmem:s25], [sflag:$0x2] =	stream.indirect_vreg.gather [hbm4b:s10+s3], $0x80, v2, vm0, $0xb8;
	[tilespmem:$0x18100] =	vst v63  }
0x5a: {  	s30 =	simm.s32 $0xB900  }
0x5b: {  	[tilespmem:s30], [sflag:$0x2] =	stream.indirect_vreg.gather [hbm4b:s11+s3], $0x80, v2, vm0, $0xb8;
	[tilespmem:$0x18100] =	vst v63  }
0x5c: {  	s4 =	simm.s32 $0xC100  }
0x5d: {  	[tilespmem:s4], [sflag:$0x2] =	stream.indirect_vreg.gather [hbm4b:s12+s3], $0x80, v2, vm0, $0xb8;
	[tilespmem:$0x18100] =	vst v63  }
0x5e: {  	s20 =	simm.s32 $0xC900  }
0x5f: {  	[tilespmem:s20], [sflag:$0x2] =	stream.indirect_vreg.gather [hbm4b:s13+s3], $0x80, v2, vm0, $0xb8;
	[tilespmem:$0x18100] =	vst v63  }
0x60: {  	s21 =	simm.s32 $0xD100  }
0x61: {  	[tilespmem:s21], [sflag:$0x2] =	stream.indirect_vreg.gather [hbm4b:s14+s3], $0x80, v2, vm0, $0xb8;
	[tilespmem:$0x18100] =	vst v63  }
0x62: {  	s22 =	simm.s32 $0xD900  }
0x63: {  	[tilespmem:s22], [sflag:$0x2] =	stream.indirect_vreg.gather [hbm4b:s15+s3], $0x80, v2, vm0, $0xb8;
	[tilespmem:$0x18100] =	vst v63  }
0x64: {  	s23 =	simm.s32 $0xE100  }
0x65: {  	[tilespmem:s23], [sflag:$0x2] =	stream.indirect_vreg.gather [hbm4b:s16+s3], $0x80, v2, vm0, $0xb8;
	[tilespmem:$0x18100] =	vst v63  }
0x66: {  	s24 =	simm.s32 $0xE900  }
0x67: {  	[tilespmem:s24], [sflag:$0x2] =	stream.indirect_vreg.gather [hbm4b:s17+s3], $0x80, v2, vm0, $0xb8;
	[tilespmem:$0x18100] =	vst v63  }
0x68: {  	s25 =	simm.s32 $0xF100  }
0x69: {  	[tilespmem:s25], [sflag:$0x2] =	stream.indirect_vreg.gather [hbm4b:s18+s3], $0x80, v2, vm0, $0xb8;
	[tilespmem:$0x18100] =	vst v63  }
0x6a: {  	s30 =	simm.s32 $0xF900  }
0x6b: {  	[tilespmem:s30], [sflag:$0x2] =	stream.indirect_vreg.gather [hbm4b:s19+s3], $0x80, v2, vm0, $0xb8;
	[tilespmem:$0x18100] =	vst v63  }
0x6c: {  	v2 =	vld.msk [tilespmem:$0x10], $0xff;
	_ =	sdelay $0x4  }
0x6d: {  	v3 =	vshll.u32 v2, $0x5  }
0x6e: {  	v2 =	vand.u32 $0x7, v2;
	v3 =	vand.u32 $0xFFFFFF00, v3  }
0x6f: {  	v2 =	vor.u32 v2, v3  }
0x70: {  	v2 =	vperm.xlane v2, v0;
	_ =	sdelay $0x1  }
0x71: {  	v2 =	vadd.s32 v1, v2;
	_ =	sdelay $0x3  }
0x72: {  	s25 =	simm.s32 $0x10100  }
0x73: {  	[tilespmem:s25], [sflag:$0x3] =	stream.indirect_vreg.gather [hbm4b:s1+s3], $0x80, v2, vm0, $0xb8;
	[tilespmem:$0x18100] =	vst v63  }
0x74: {  	s4 =	simm.s32 $0x10900  }
0x75: {  	[tilespmem:s4], [sflag:$0x3] =	stream.indirect_vreg.gather [hbm4b:s5+s3], $0x80, v2, vm0, $0xb8;
	[tilespmem:$0x18100] =	vst v63  }
0x76: {  	s20 =	simm.s32 $0x11100  }
0x77: {  	[tilespmem:s20], [sflag:$0x3] =	stream.indirect_vreg.gather [hbm4b:s6+s3], $0x80, v2, vm0, $0xb8;
	[tilespmem:$0x18100] =	vst v63  }
0x78: {  	s21 =	simm.s32 $0x11900  }
0x79: {  	[tilespmem:s21], [sflag:$0x3] =	stream.indirect_vreg.gather [hbm4b:s7+s3], $0x80, v2, vm0, $0xb8;
	[tilespmem:$0x18100] =	vst v63  }
0x7a: {  	s22 =	simm.s32 $0x12100  }
0x7b: {  	[tilespmem:s22], [sflag:$0x3] =	stream.indirect_vreg.gather [hbm4b:s8+s3], $0x80, v2, vm0, $0xb8;
	[tilespmem:$0x18100] =	vst v63  }
0x7c: {  	s23 =	simm.s32 $0x12900  }
0x7d: {  	[tilespmem:s23], [sflag:$0x3] =	stream.indirect_vreg.gather [hbm4b:s9+s3], $0x80, v2, vm0, $0xb8;
	[tilespmem:$0x18100] =	vst v63  }
0x7e: {  	s24 =	simm.s32 $0x13100  }
0x7f: {  	[tilespmem:s24], [sflag:$0x3] =	stream.indirect_vreg.gather [hbm4b:s10+s3], $0x80, v2, vm0, $0xb8;
	[tilespmem:$0x18100] =	vst v63  }
0x80: {  	s30 =	simm.s32 $0x13900  }
0x81: {  	[tilespmem:s30], [sflag:$0x3] =	stream.indirect_vreg.gather [hbm4b:s11+s3], $0x80, v2, vm0, $0xb8;
	[tilespmem:$0x18100] =	vst v63  }
0x82: {  	s4 =	simm.s32 $0x14100  }
0x83: {  	[tilespmem:s4], [sflag:$0x3] =	stream.indirect_vreg.gather [hbm4b:s12+s3], $0x80, v2, vm0, $0xb8;
	[tilespmem:$0x18100] =	vst v63  }
0x84: {  	s20 =	simm.s32 $0x14900  }
0x85: {  	[tilespmem:s20], [sflag:$0x3] =	stream.indirect_vreg.gather [hbm4b:s13+s3], $0x80, v2, vm0, $0xb8;
	[tilespmem:$0x18100] =	vst v63  }
0x86: {  	s21 =	simm.s32 $0x15100  }
0x87: {  	[tilespmem:s21], [sflag:$0x3] =	stream.indirect_vreg.gather [hbm4b:s14+s3], $0x80, v2, vm0, $0xb8;
	[tilespmem:$0x18100] =	vst v63  }
0x88: {  	s22 =	simm.s32 $0x15900  }
0x89: {  	[tilespmem:s22], [sflag:$0x3] =	stream.indirect_vreg.gather [hbm4b:s15+s3], $0x80, v2, vm0, $0xb8;
	[tilespmem:$0x18100] =	vst v63  }
0x8a: {  	s23 =	simm.s32 $0x16100  }
0x8b: {  	[tilespmem:s23], [sflag:$0x3] =	stream.indirect_vreg.gather [hbm4b:s16+s3], $0x80, v2, vm0, $0xb8;
	[tilespmem:$0x18100] =	vst v63  }
0x8c: {  	s0 =	simm.s32 $0x2;
	s24 =	simm.s32 $0x16900;
	s21 =	rddreg [dreg:$0x6]  }
0x8d: {  	[tilespmem:s24], [sflag:$0x3] =	stream.indirect_vreg.gather [hbm4b:s17+s3], $0x80, v2, vm0, $0xb8;
	[tilespmem:$0x18100] =	vst v63  }
0x8e: {  	s30 =	simm.s32 $0x17900;
	s4 =	simm.s32 $0x20;
	s23 =	rddreg [dreg:$0x7]  }
0x8f: {  	[tilespmem:s29], [sflag:$0x3] =	stream.indirect_vreg.gather [hbm4b:s18+s3], $0x80, v2, vm0, $0xb8;
	[tilespmem:$0x18100] =	vst v63  }
0x90: {  	s22 =	simm.s32 $0x0;
	s24 =	rddreg [dreg:$0x5];
	s29 =	simm.s32 $0x6  }
0x91: {  	[tilespmem:s30], [sflag:$0x3] =	stream.indirect_vreg.gather [hbm4b:s19+s3], $0x80, v2, vm0, $0xb8;
	[tilespmem:$0x18100] =	vst v63  }
.LBB2_2:
0x92: {  	_ =	swait.ge [sflag:s28], $0x8000  }
0x93: {  	[sflag:s28] =	ssyncset.done $0x0  }
0x94: {  	s30 =	simm.s32 $0x100;
	[sflag:s28] =	ssyncadd.s32 $0xFFFF8000  }
0x95: {  	[hbm4b:s23+s3] =	stream.linear.scatter [tilespmem:s30], [sflag:$0x4], $0x8000, $0x38;
	[tilespmem:$0x18100] =	vst v63  }
0x96: {  	_ =	swait.ge [sflag:s31], $0x8000  }
0x97: {  	[sflag:s31] =	ssyncset.done $0x0  }
0x98: {  	[sflag:s31] =	ssyncadd.s32 $0xFFFF8000  }
0x99: {  	v2 =	vld.msk [tilespmem:s4+$0xFFFFFFF8], $0xff;
	_ =	sdelay $0x4  }
0x9a: {  	v3 =	vshll.u32 v2, $0x5  }
0x9b: {  	v2 =	vand.u32 $0x7, v2;
	v3 =	vand.u32 $0xFFFFFF00, v3  }
0x9c: {  	v2 =	vor.u32 v2, v3  }
0x9d: {  	v2 =	vperm.xlane v2, v0;
	_ =	sdelay $0x1  }
0x9e: {  	v2 =	vadd.s32 v1, v2;
	_ =	sdelay $0x4  }
0x9f: {  	[tilespmem:s30], [sflag:$0x1] =	stream.indirect_vreg.gather [hbm4b:s1+s3], $0x80, v2, vm0, $0xb8;
	[tilespmem:$0x18100] =	vst v63  }
0xa0: {  	s20 =	simm.s32 $0x900  }
0xa1: {  	[tilespmem:s20], [sflag:$0x1] =	stream.indirect_vreg.gather [hbm4b:s5+s3], $0x80, v2, vm0, $0xb8;
	[tilespmem:$0x18100] =	vst v63  }
0xa2: {  	s30 =	simm.s32 $0x1100  }
0xa3: {  	[tilespmem:s30], [sflag:$0x1] =	stream.indirect_vreg.gather [hbm4b:s6+s3], $0x80, v2, vm0, $0xb8;
	[tilespmem:$0x18100] =	vst v63  }
0xa4: {  	s30 =	simm.s32 $0x1900  }
0xa5: {  	[tilespmem:s30], [sflag:$0x1] =	stream.indirect_vreg.gather [hbm4b:s7+s3], $0x80, v2, vm0, $0xb8;
	[tilespmem:$0x18100] =	vst v63  }
0xa6: {  	s30 =	simm.s32 $0x2100  }
0xa7: {  	[tilespmem:s30], [sflag:$0x1] =	stream.indirect_vreg.gather [hbm4b:s8+s3], $0x80, v2, vm0, $0xb8;
	[tilespmem:$0x18100] =	vst v63  }
0xa8: {  	s30 =	simm.s32 $0x2900  }
0xa9: {  	[tilespmem:s30], [sflag:$0x1] =	stream.indirect_vreg.gather [hbm4b:s9+s3], $0x80, v2, vm0, $0xb8;
	[tilespmem:$0x18100] =	vst v63  }
0xaa: {  	s30 =	simm.s32 $0x3100  }
0xab: {  	[tilespmem:s30], [sflag:$0x1] =	stream.indirect_vreg.gather [hbm4b:s10+s3], $0x80, v2, vm0, $0xb8;
	[tilespmem:$0x18100] =	vst v63  }
0xac: {  	s30 =	simm.s32 $0x3900  }
0xad: {  	[tilespmem:s30], [sflag:$0x1] =	stream.indirect_vreg.gather [hbm4b:s11+s3], $0x80, v2, vm0, $0xb8;
	[tilespmem:$0x18100] =	vst v63  }
0xae: {  	s30 =	simm.s32 $0x4100  }
0xaf: {  	[tilespmem:s30], [sflag:$0x1] =	stream.indirect_vreg.gather [hbm4b:s12+s3], $0x80, v2, vm0, $0xb8;
	[tilespmem:$0x18100] =	vst v63  }
0xb0: {  	s30 =	simm.s32 $0x4900  }
0xb1: {  	[tilespmem:s30], [sflag:$0x1] =	stream.indirect_vreg.gather [hbm4b:s13+s3], $0x80, v2, vm0, $0xb8;
	[tilespmem:$0x18100] =	vst v63  }
0xb2: {  	s30 =	simm.s32 $0x5100  }
0xb3: {  	[tilespmem:s30], [sflag:$0x1] =	stream.indirect_vreg.gather [hbm4b:s14+s3], $0x80, v2, vm0, $0xb8;
	[tilespmem:$0x18100] =	vst v63  }
0xb4: {  	s30 =	simm.s32 $0x5900  }
0xb5: {  	[tilespmem:s30], [sflag:$0x1] =	stream.indirect_vreg.gather [hbm4b:s15+s3], $0x80, v2, vm0, $0xb8;
	[tilespmem:$0x18100] =	vst v63  }
0xb6: {  	s30 =	simm.s32 $0x6100  }
0xb7: {  	[tilespmem:s30], [sflag:$0x1] =	stream.indirect_vreg.gather [hbm4b:s16+s3], $0x80, v2, vm0, $0xb8;
	[tilespmem:$0x18100] =	vst v63  }
0xb8: {  	s30 =	simm.s32 $0x6900  }
0xb9: {  	[tilespmem:s30], [sflag:$0x1] =	stream.indirect_vreg.gather [hbm4b:s17+s3], $0x80, v2, vm0, $0xb8;
	[tilespmem:$0x18100] =	vst v63  }
0xba: {  	s30 =	simm.s32 $0x7100  }
0xbb: {  	[tilespmem:s30], [sflag:$0x1] =	stream.indirect_vreg.gather [hbm4b:s18+s3], $0x80, v2, vm0, $0xb8;
	[tilespmem:$0x18100] =	vst v63  }
0xbc: {  	s30 =	simm.s32 $0x7900  }
0xbd: {  	[tilespmem:s30], [sflag:$0x1] =	stream.indirect_vreg.gather [hbm4b:s19+s3], $0x80, v2, vm0, $0xb8;
	[tilespmem:$0x18100] =	vst v63  }
0xbe: {  	_ =	swait.ge [sflag:s0], $0x8000  }
0xbf: {  	[sflag:s0] =	ssyncset.done $0x0  }
0xc0: {  	s20 =	simm.s32 $0x5;
	s30 =	simm.s32 $0x8100;
	[sflag:s0] =	ssyncadd.s32 $0xFFFF8000  }
0xc1: {  	[hbm4b:s21+s3] =	stream.linear.scatter [tilespmem:s30], [sflag:$0x5], $0x8000, $0x38;
	[tilespmem:$0x18100] =	vst v63  }
0xc2: {  	_ =	swait.ge [sflag:s20], $0x8000  }
0xc3: {  	[sflag:s20] =	ssyncset.done $0x0  }
0xc4: {  	[sflag:s20] =	ssyncadd.s32 $0xFFFF8000  }
0xc5: {  	v2 =	vld.msk [tilespmem:s4+$0x0], $0xff;
	_ =	sdelay $0x4  }
0xc6: {  	v3 =	vshll.u32 v2, $0x5  }
0xc7: {  	v2 =	vand.u32 $0x7, v2;
	v3 =	vand.u32 $0xFFFFFF00, v3  }
0xc8: {  	v2 =	vor.u32 v2, v3  }
0xc9: {  	v2 =	vperm.xlane v2, v0;
	_ =	sdelay $0x1  }
0xca: {  	v2 =	vadd.s32 v1, v2;
	_ =	sdelay $0x4  }
0xcb: {  	[tilespmem:s30], [sflag:$0x2] =	stream.indirect_vreg.gather [hbm4b:s1+s3], $0x80, v2, vm0, $0xb8;
	[tilespmem:$0x18100] =	vst v63  }
0xcc: {  	s30 =	simm.s32 $0x8900  }
0xcd: {  	[tilespmem:s30], [sflag:$0x2] =	stream.indirect_vreg.gather [hbm4b:s5+s3], $0x80, v2, vm0, $0xb8;
	[tilespmem:$0x18100] =	vst v63  }
0xce: {  	s30 =	simm.s32 $0x9100  }
0xcf: {  	[tilespmem:s30], [sflag:$0x2] =	stream.indirect_vreg.gather [hbm4b:s6+s3], $0x80, v2, vm0, $0xb8;
	[tilespmem:$0x18100] =	vst v63  }
0xd0: {  	s30 =	simm.s32 $0x9900  }
0xd1: {  	[tilespmem:s30], [sflag:$0x2] =	stream.indirect_vreg.gather [hbm4b:s7+s3], $0x80, v2, vm0, $0xb8;
	[tilespmem:$0x18100] =	vst v63  }
0xd2: {  	s30 =	simm.s32 $0xA100  }
0xd3: {  	[tilespmem:s30], [sflag:$0x2] =	stream.indirect_vreg.gather [hbm4b:s8+s3], $0x80, v2, vm0, $0xb8;
	[tilespmem:$0x18100] =	vst v63  }
0xd4: {  	s30 =	simm.s32 $0xA900  }
0xd5: {  	[tilespmem:s30], [sflag:$0x2] =	stream.indirect_vreg.gather [hbm4b:s9+s3], $0x80, v2, vm0, $0xb8;
	[tilespmem:$0x18100] =	vst v63  }
0xd6: {  	s30 =	simm.s32 $0xB100  }
0xd7: {  	[tilespmem:s30], [sflag:$0x2] =	stream.indirect_vreg.gather [hbm4b:s10+s3], $0x80, v2, vm0, $0xb8;
	[tilespmem:$0x18100] =	vst v63  }
0xd8: {  	s30 =	simm.s32 $0xB900  }
0xd9: {  	[tilespmem:s30], [sflag:$0x2] =	stream.indirect_vreg.gather [hbm4b:s11+s3], $0x80, v2, vm0, $0xb8;
	[tilespmem:$0x18100] =	vst v63  }
0xda: {  	s30 =	simm.s32 $0xC100  }
0xdb: {  	[tilespmem:s30], [sflag:$0x2] =	stream.indirect_vreg.gather [hbm4b:s12+s3], $0x80, v2, vm0, $0xb8;
	[tilespmem:$0x18100] =	vst v63  }
0xdc: {  	s30 =	simm.s32 $0xC900  }
0xdd: {  	[tilespmem:s30], [sflag:$0x2] =	stream.indirect_vreg.gather [hbm4b:s13+s3], $0x80, v2, vm0, $0xb8;
	[tilespmem:$0x18100] =	vst v63  }
0xde: {  	s30 =	simm.s32 $0xD100  }
0xdf: {  	[tilespmem:s30], [sflag:$0x2] =	stream.indirect_vreg.gather [hbm4b:s14+s3], $0x80, v2, vm0, $0xb8;
	[tilespmem:$0x18100] =	vst v63  }
0xe0: {  	s30 =	simm.s32 $0xD900  }
0xe1: {  	[tilespmem:s30], [sflag:$0x2] =	stream.indirect_vreg.gather [hbm4b:s15+s3], $0x80, v2, vm0, $0xb8;
	[tilespmem:$0x18100] =	vst v63  }
0xe2: {  	s30 =	simm.s32 $0xE100  }
0xe3: {  	[tilespmem:s30], [sflag:$0x2] =	stream.indirect_vreg.gather [hbm4b:s16+s3], $0x80, v2, vm0, $0xb8;
	[tilespmem:$0x18100] =	vst v63  }
0xe4: {  	s30 =	simm.s32 $0xE900  }
0xe5: {  	[tilespmem:s30], [sflag:$0x2] =	stream.indirect_vreg.gather [hbm4b:s17+s3], $0x80, v2, vm0, $0xb8;
	[tilespmem:$0x18100] =	vst v63  }
0xe6: {  	s30 =	simm.s32 $0xF100  }
0xe7: {  	[tilespmem:s30], [sflag:$0x2] =	stream.indirect_vreg.gather [hbm4b:s18+s3], $0x80, v2, vm0, $0xb8;
	[tilespmem:$0x18100] =	vst v63  }
0xe8: {  	s30 =	simm.s32 $0xF900  }
0xe9: {  	[tilespmem:s30], [sflag:$0x2] =	stream.indirect_vreg.gather [hbm4b:s19+s3], $0x80, v2, vm0, $0xb8;
	[tilespmem:$0x18100] =	vst v63  }
0xea: {  	_ =	swait.ge [sflag:s26], $0x8000  }
0xeb: {  	[sflag:s26] =	ssyncset.done $0x0  }
0xec: {  	[sflag:s26] =	ssyncadd.s32 $0xFFFF8000  }
0xed: {  	[hbm4b:s24+s3] =	stream.linear.scatter [tilespmem:s25], [sflag:$0x6], $0x8000, $0x38;
	[tilespmem:$0x18100] =	vst v63  }
0xee: {  	_ =	swait.ge [sflag:s29], $0x8000  }
0xef: {  	s30 =	smin.u32 s22, $0x1A;
	[sflag:s29] =	ssyncset.done $0x0  }
0xf0: {  	s30 =	sshll.u32 s30, $0x3;
	[sflag:s29] =	ssyncadd.s32 $0xFFFF8000  }
0xf1: {  	v2 =	vld.msk [tilespmem:s30+$0x28], $0xff;
	_ =	sdelay $0x4  }
0xf2: {  	v3 =	vshll.u32 v2, $0x5  }
0xf3: {  	v2 =	vand.u32 $0x7, v2;
	v3 =	vand.u32 $0xFFFFFF00, v3  }
0xf4: {  	v2 =	vor.u32 v2, v3  }
0xf5: {  	v2 =	vperm.xlane v2, v0;
	_ =	sdelay $0x1  }
0xf6: {  	v2 =	vadd.s32 v1, v2;
	_ =	sdelay $0x4  }
0xf7: {  	[tilespmem:s25], [sflag:$0x3] =	stream.indirect_vreg.gather [hbm4b:s1+s3], $0x80, v2, vm0, $0xb8;
	[tilespmem:$0x18100] =	vst v63  }
0xf8: {  	s30 =	simm.s32 $0x10900  }
0xf9: {  	[tilespmem:s30], [sflag:$0x3] =	stream.indirect_vreg.gather [hbm4b:s5+s3], $0x80, v2, vm0, $0xb8;
	[tilespmem:$0x18100] =	vst v63  }
0xfa: {  	s30 =	simm.s32 $0x11100  }
0xfb: {  	[tilespmem:s30], [sflag:$0x3] =	stream.indirect_vreg.gather [hbm4b:s6+s3], $0x80, v2, vm0, $0xb8;
	[tilespmem:$0x18100] =	vst v63  }
0xfc: {  	s30 =	simm.s32 $0x11900  }
0xfd: {  	[tilespmem:s30], [sflag:$0x3] =	stream.indirect_vreg.gather [hbm4b:s7+s3], $0x80, v2, vm0, $0xb8;
	[tilespmem:$0x18100] =	vst v63  }
0xfe: {  	s30 =	simm.s32 $0x12100  }
0xff: {  	[tilespmem:s30], [sflag:$0x3] =	stream.indirect_vreg.gather [hbm4b:s8+s3], $0x80, v2, vm0, $0xb8;
	[tilespmem:$0x18100] =	vst v63  }
0x100: {  	s30 =	simm.s32 $0x12900  }
0x101: {  	[tilespmem:s30], [sflag:$0x3] =	stream.indirect_vreg.gather [hbm4b:s9+s3], $0x80, v2, vm0, $0xb8;
	[tilespmem:$0x18100] =	vst v63  }
0x102: {  	s30 =	simm.s32 $0x13100  }
0x103: {  	[tilespmem:s30], [sflag:$0x3] =	stream.indirect_vreg.gather [hbm4b:s10+s3], $0x80, v2, vm0, $0xb8;
	[tilespmem:$0x18100] =	vst v63  }
0x104: {  	s30 =	simm.s32 $0x13900  }
0x105: {  	[tilespmem:s30], [sflag:$0x3] =	stream.indirect_vreg.gather [hbm4b:s11+s3], $0x80, v2, vm0, $0xb8;
	[tilespmem:$0x18100] =	vst v63  }
0x106: {  	s30 =	simm.s32 $0x14100  }
0x107: {  	[tilespmem:s30], [sflag:$0x3] =	stream.indirect_vreg.gather [hbm4b:s12+s3], $0x80, v2, vm0, $0xb8;
	[tilespmem:$0x18100] =	vst v63  }
0x108: {  	s30 =	simm.s32 $0x14900  }
0x109: {  	[tilespmem:s30], [sflag:$0x3] =	stream.indirect_vreg.gather [hbm4b:s13+s3], $0x80, v2, vm0, $0xb8;
	[tilespmem:$0x18100] =	vst v63  }
0x10a: {  	s30 =	simm.s32 $0x15100  }
0x10b: {  	[tilespmem:s30], [sflag:$0x3] =	stream.indirect_vreg.gather [hbm4b:s14+s3], $0x80, v2, vm0, $0xb8;
	[tilespmem:$0x18100] =	vst v63  }
0x10c: {  	s30 =	simm.s32 $0x15900  }
0x10d: {  	[tilespmem:s30], [sflag:$0x3] =	stream.indirect_vreg.gather [hbm4b:s15+s3], $0x80, v2, vm0, $0xb8;
	[tilespmem:$0x18100] =	vst v63  }
0x10e: {  	s30 =	simm.s32 $0x16100  }
0x10f: {  	[tilespmem:s30], [sflag:$0x3] =	stream.indirect_vreg.gather [hbm4b:s16+s3], $0x80, v2, vm0, $0xb8;
	[tilespmem:$0x18100] =	vst v63  }
0x110: {  	s2 =	simm.s32 $0x100;
	p0 =	sne.s32 s22, $0x1B;
	s30 =	simm.s32 $0x16900  }
0x111: {  	[tilespmem:s30], [sflag:$0x3] =	stream.indirect_vreg.gather [hbm4b:s17+s3], $0x80, v2, vm0, $0xb8;
	[tilespmem:$0x18100] =	vst v63  }
.Ltmp0:
0x112: {  	s23 =	sadd.s32 $0x3000, s23;
	s21 =	sadd.s32 $0x3000, s21;
	(pc) =	sbr.rel @p0 .LBB2_2-.Ltmp0, $4  }
0x113: {  	s20 =	simm.s32 $0x8100;
	s4 =	sadd.s32 $0x18, s4;
	s30 =	simm.s32 $0x17100  }
0x114: {  	[tilespmem:s30], [sflag:$0x3] =	stream.indirect_vreg.gather [hbm4b:s18+s3], $0x80, v2, vm0, $0xb8;
	[tilespmem:$0x18100] =	vst v63  }
0x115: {  	s22 =	sadd.s32 $0x3, s22;
	s24 =	sadd.s32 $0x3000, s24;
	s30 =	simm.s32 $0x17900  }
0x116: {  	[tilespmem:s30], [sflag:$0x3] =	stream.indirect_vreg.gather [hbm4b:s19+s3], $0x80, v2, vm0, $0xb8;
	[tilespmem:$0x18100] =	vst v63  }
0x117: {  	_ =	swait.ge [sflag:s28], $0x8000  }
0x118: {  	[sflag:s28] =	ssyncset.done $0x0  }
0x119: {  	s4 =	rddreg [dreg:$0x8];
	[sflag:s28] =	ssyncadd.s32 $0xFFFF8000  }
0x11a: {  	[hbm4b:s4+s3] =	stream.linear.scatter [tilespmem:s2], [sflag:$0x4], $0x8000, $0x38;
	[tilespmem:$0x18100] =	vst v63  }
0x11b: {  	_ =	swait.ge [sflag:s0], $0x8000  }
0x11c: {  	[sflag:s0] =	ssyncset.done $0x0  }
0x11d: {  	s23 =	rddreg [dreg:$0x9];
	[sflag:s0] =	ssyncadd.s32 $0xFFFF8000  }
0x11e: {  	[hbm4b:s23+s3] =	stream.linear.scatter [tilespmem:s20], [sflag:$0x5], $0x8000, $0x38;
	[tilespmem:$0x18100] =	vst v63  }
0x11f: {  	_ =	swait.ge [sflag:s26], $0x8000  }
0x120: {  	[sflag:s26] =	ssyncset.done $0x0  }
0x121: {  	[sflag:s26] =	ssyncadd.s32 $0xFFFF8000  }
0x122: {  	_ =	swait.ge [sflag:s31], $0x8000  }
0x123: {  	[sflag:s31] =	ssyncset.done $0x0  }
0x124: {  	s24 =	simm.s32 $0x5;
	[sflag:s31] =	ssyncadd.s32 $0xFFFF8000  }
0x125: {  	_ =	swait.ge [sflag:s24], $0x8000  }
0x126: {  	s21 =	rddreg [dreg:$0xb]  }
0x127: {  	s25 =	rddreg [dreg:$0xa];
	s21 =	sadd.s32 $0x1, s21  }
0x128: {  	p0 =	sne.s32 s21, s25  }
.Ltmp1:
0x129: {  	_ = 	snop;
	(pc) =	sbr.rel @p0 .LBB2_1-.Ltmp1, $4  }
0x12a: {  	_ = 	snop  }
0x12b: {  	s30 =	simm.s32 $0x2100  }
0x12c: {  	s29 =	simm.s32 $0x17100;
	s23 =	simm.s32 $0x1100;
	[sflag:s24] =	ssyncset.done $0x0  }
0x12d: {  	[sflag:s24] =	ssyncadd.s32 $0xFFFF8000;
	s24 =	simm.s32 $0x1900;
	s25 =	simm.s32 $0x900  }
0x12e: {  	_ =	sfence.sel $0x180000  }
0x12f: {  	[bflag:$0x0] =	sbarrier.arrive $0xFFFF  }
0x130: {  	_ =	strace $0x90000047  }
0x131: {  	s0 =	stileid.u32;
	[bflag:$0x2] =	sbarrier.arrive $0xFFFF  }
0x132: {  	p0 =	sne.s32 s0, $0x0;
	s0 =	rddreg [dreg:$0x3]  }
0x133: {  	s0 =	sadd.s32 @!p0 $0x100000, s0  }
0x134: {  	[sflag:s0] =	ssyncadd.tile.s32 @!p0 $0x1;
	_ =	shalt  }
.Lfunc_end2:
_tile_overlayer_lowered:
.L_overlay_start_2:
0x135: {  	(tag) =	ssettag $0x2  }
0x136: {  	s0 =	rddreg [dreg:$0x0];
	s2 =	stileid.u32  }
0x137: {  	s1 =	rddreg [dreg:$0x1];
	p0 =	sne.s32 s2, $0x0  }
0x138: {  	s3 =	rddreg [dreg:$0x2];
	[bflag:$0x3] =	sbarrier.arrive $0xFFFF;
	s2 =	simm.s32 @!p0 $0x1C07  }
0x139: {  	[timem:s3], [sflag:s2] =	dma.local @!p0 [hbm:s0], s1  }
0x13a: {  	s0 =	simm.s32 @!p0 $0x7  }
0x13b: {  	_ =	swait.ge @!p0 [sflag:s0], s1  }
0x13c: {  	s1 =	ssub.s32 @!p0 $0x0, s1;
	[sflag:s0] =	ssyncset.done @!p0 $0x0  }
0x13d: {  	[sflag:s0] =	ssyncadd.s32 @!p0 s1  }
0x13e: {  	[bflag:$0x3] =	sbarrier.arrive $0xFFFF  }
0x13f: {  	_ =	shalt  }

</sc_bundles>
